<compile_context>
chip_gen: v7x
topology: tpu7x:2x2x1
jax: 0.10.2.dev20260603
libtpu: 0.0.44.dev20260713+nightly
codegen_flags: <defaults>
</compile_context>

<pallas_src>
import functools

import jax
import jax.numpy as jnp
from jax import lax
from jax.experimental import pallas as pl
from jax.experimental.pallas import tpu as pltpu
from jax.experimental.pallas import tpu_sc as plsc

_NUM_WORKERS = 32
_CH = 256
_NBUF = 4


def _make_gather(B, D):
    b_per_w = B // _NUM_WORKERS
    n_chunks = b_per_w // _CH
    assert n_chunks % _NBUF == 0 and n_chunks > _NBUF
    mesh = plsc.VectorSubcoreMesh(core_axis_name="c", subcore_axis_name="s")

    @functools.partial(
        pl.kernel,
        mesh=mesh,
        out_type=jax.ShapeDtypeStruct((B, D), jnp.float32),
        scratch_types=[
            pltpu.VMEM((b_per_w,), jnp.int32),
            pltpu.VMEM((_NBUF, _CH, D), jnp.float32),
        ]
        + [pltpu.SemaphoreType.DMA] * (2 * _NBUF),
        compiler_params=pltpu.CompilerParams(use_tc_tiling_on_sc=False),
    )
    def k(idx_hbm, table_hbm, out_hbm, idx_all, rows, *sems):
        gsems = sems[:_NBUF]
        wsems = sems[_NBUF:]
        wid = lax.axis_index("s") * 2 + lax.axis_index("c")
        base = wid * b_per_w
        pltpu.sync_copy(idx_hbm.at[pl.ds(base, b_per_w)], idx_all)

        def issue_gather(g, b):
            pltpu.async_copy(
                table_hbm.at[idx_all.at[pl.ds(g * _CH, _CH)]],
                rows.at[b],
                gsems[b],
            )

        def wait_gather(b):
            pltpu.make_async_copy(
                table_hbm.at[pl.ds(0, _CH)], rows.at[b], gsems[b]
            ).wait()

        def issue_writeback(g, b):
            pltpu.async_copy(
                rows.at[b], out_hbm.at[pl.ds(base + g * _CH, _CH)], wsems[b]
            )

        def wait_writeback(b):
            pltpu.make_async_copy(
                rows.at[b], out_hbm.at[pl.ds(base, _CH)], wsems[b]
            ).wait()

        for b in range(_NBUF - 1):
            issue_gather(b, b)

        def outer(i, carry):
            g0 = i * _NBUF
            for b in range(_NBUF):
                g = g0 + b
                wait_gather(b)
                issue_writeback(g, b)

                nb = (b + _NBUF - 1) % _NBUF

                @pl.when(g >= 1)
                def _():
                    wait_writeback(nb)

                @pl.when(g + (_NBUF - 1) < n_chunks)
                def _():
                    issue_gather(g + (_NBUF - 1), nb)

            return carry

        lax.fori_loop(0, n_chunks // _NBUF, outer, 0)
        wait_writeback((n_chunks - 1) % _NBUF)

    return k


def kernel(token_ids, weight):
    D = weight.shape[1]
    flat = token_ids.reshape(-1).astype(jnp.int32)
    out = _make_gather(flat.shape[0], D)(flat, weight)
    return out.reshape(*token_ids.shape, D)

# --- scband reference (transcript-rebuilt; emitter-appended) ---
"""Pipeline reference for scband-embedding-867583394489 (READ-ONLY COPY).

The authoritative reference and input builder live on the scoring server;
editing this copy changes nothing except your own understanding.
"""

import jax, jax.numpy as jnp
import numpy as np

NUM_EMBEDDINGS = 1000000
EMBEDDING_DIM = 64

def setup_inputs(seed: int = 0) -> dict:
    key = jax.random.key(seed)
    k1, k2 = jax.random.split(key)
    token_ids = jax.random.randint(k1, (4096, 200), 0, NUM_EMBEDDINGS, dtype=jnp.int64 if jax.config.jax_enable_x64 else jnp.int32)
    # trunc_normal init (mean=0, std=1, clipped to [-3, 3]) approximated via clipped normal
    weight = jnp.clip(jax.random.normal(k2, (NUM_EMBEDDINGS, EMBEDDING_DIM), dtype=jnp.float32), -3.0, 3.0)
    return {"token_ids": token_ids, "weight": weight}

def reference(token_ids, weight):
    # weight[token_ids] -> (batch, seq, embedding_dim)
    return jnp.take(weight, token_ids, axis=0)

if __name__ == "__main__":
    import jax
    _d = setup_inputs()
    print(jax.jit(kernel)(*tuple(_d.values())))

</pallas_src>

<mosaic_0001>
#map = affine_map<(d0, d1) -> (0)>
#map1 = affine_map<(d0, d1) -> (0, 0)>
module attributes {stable_mosaic.version = 14 : i64} {
  func.func @k(%arg0: i32, %arg1: i32, %arg2: memref<819200xi32, #tpu.memory_space<hbm>>, %arg3: memref<1000000x64xf32, #tpu.memory_space<hbm>>, %arg4: memref<819200x64xf32, #tpu.memory_space<hbm>>, %arg5: memref<25600xi32, #tpu.memory_space<vmem>>, %arg6: memref<4x256x64xf32, #tpu.memory_space<vmem>>, %arg7: memref<!tpu.dma_semaphore, #tpu.memory_space<semaphore_mem>>, %arg8: memref<!tpu.dma_semaphore, #tpu.memory_space<semaphore_mem>>, %arg9: memref<!tpu.dma_semaphore, #tpu.memory_space<semaphore_mem>>, %arg10: memref<!tpu.dma_semaphore, #tpu.memory_space<semaphore_mem>>, %arg11: memref<!tpu.dma_semaphore, #tpu.memory_space<semaphore_mem>>, %arg12: memref<!tpu.dma_semaphore, #tpu.memory_space<semaphore_mem>>, %arg13: memref<!tpu.dma_semaphore, #tpu.memory_space<semaphore_mem>>, %arg14: memref<!tpu.dma_semaphore, #tpu.memory_space<semaphore_mem>>) attributes {dimension_semantics = [#tpu.dimension_semantics<core_parallel>, #tpu.dimension_semantics<subcore_parallel>], iteration_bounds = array<i64: 2, 16>, scalar_prefetch = 0 : i64, scratch_operands = 10 : i64, tpu.core_type = #tpu.core_type<sc_vector_subcore>, window_params = [{transform_indices = #map}, {transform_indices = #map1}, {transform_indices = #map1}]} {
    %mul3A = arith.constant 2 : i32
    %mul3A_0 = arith.muli %arg1, %mul3A : i32
    %add3A = arith.addi %mul3A_0, %arg0 : i32
    %mul3A_1 = arith.constant 25600 : i32
    %mul3A_2 = arith.muli %add3A, %mul3A_1 : i32
    "tpu.region"() ({
      %run_scoped3A = tpu.sem_alloc : memref<!tpu.dma_semaphore, #tpu.memory_space<semaphore_mem>>
      %dma_start3A_49 = tpu.memref_slice %arg2[%mul3A_2] : memref<819200xi32, #tpu.memory_space<hbm>> -> memref<25600xi32, #tpu.memory_space<hbm>>
      %dma_start3A_50 = tpu.memref_slice %arg2[%mul3A_2] : memref<819200xi32, #tpu.memory_space<hbm>> -> memref<25600xi32, #tpu.memory_space<hbm>>
      tpu.enqueue_dma source(%dma_start3A_50 : memref<25600xi32, #tpu.memory_space<hbm>>) target(%arg5 : memref<25600xi32, #tpu.memory_space<vmem>>) target_semaphore(%run_scoped3A : memref<!tpu.dma_semaphore, #tpu.memory_space<semaphore_mem>>)
      %dma_wait3A_51 = tpu.memref_slice %arg2[%mul3A_2] : memref<819200xi32, #tpu.memory_space<hbm>> -> memref<25600xi32, #tpu.memory_space<hbm>>
      %dma_wait3A_52 = tpu.memref_slice %arg2[%mul3A_2] : memref<819200xi32, #tpu.memory_space<hbm>> -> memref<25600xi32, #tpu.memory_space<hbm>>
      tpu.wait_dma2 semaphore(%run_scoped3A : memref<!tpu.dma_semaphore, #tpu.memory_space<semaphore_mem>>) src(%dma_wait3A_52 : memref<25600xi32, #tpu.memory_space<hbm>>) dst(%arg5 : memref<25600xi32, #tpu.memory_space<vmem>>)
      tpu.yield
    }) : () -> ()
    %dma_start3A = arith.constant 0 : i32
    %dma_start3A_3 = arith.constant 0 : i32
    %dma_start3A_4 = arith.constant 0 : i32
    %dma_start3A_5 = tpu.memref_slice %arg6[%dma_start3A, %dma_start3A_3, %dma_start3A_4] : memref<4x256x64xf32, #tpu.memory_space<vmem>> -> memref<1x256x64xf32, #tpu.memory_space<vmem>>
    %dma_start3A_6 = tpu.memref_squeeze %dma_start3A_5 : memref<1x256x64xf32, #tpu.memory_space<vmem>> -> memref<256x64xf32, #tpu.memory_space<vmem>>
    %dma_start3A_7 = arith.constant 0 : i32
    %dma_start3A_8 = tpu.memref_slice %arg5[%dma_start3A_7] : memref<25600xi32, #tpu.memory_space<vmem>> -> memref<256xi32, #tpu.memory_space<vmem>>
    %dma_start3A_9 = arith.constant 0 : i32
    %dma_start3A_10 = arith.constant 0 : i32
    %dma_start3A_11 = tpu.memref_slice %arg3[%dma_start3A_9, %dma_start3A_10] : memref<1000000x64xf32, #tpu.memory_space<hbm>> -> memref<1000000x64xf32, #tpu.memory_space<hbm>>
    tpu.enqueue_indirect_dma source(%dma_start3A_11 : memref<1000000x64xf32, #tpu.memory_space<hbm>>) target(%dma_start3A_6 : memref<256x64xf32, #tpu.memory_space<vmem>>) offsets(%dma_start3A_8 : memref<256xi32, #tpu.memory_space<vmem>>) semaphore(%arg7 : memref<!tpu.dma_semaphore, #tpu.memory_space<semaphore_mem>>)
    %dma_start3A_12 = arith.constant 1 : i32
    %dma_start3A_13 = arith.constant 0 : i32
    %dma_start3A_14 = arith.constant 0 : i32
    %dma_start3A_15 = tpu.memref_slice %arg6[%dma_start3A_12, %dma_start3A_13, %dma_start3A_14] : memref<4x256x64xf32, #tpu.memory_space<vmem>> -> memref<1x256x64xf32, #tpu.memory_space<vmem>>
    %dma_start3A_16 = tpu.memref_squeeze %dma_start3A_15 : memref<1x256x64xf32, #tpu.memory_space<vmem>> -> memref<256x64xf32, #tpu.memory_space<vmem>>
    %dma_start3A_17 = arith.constant 256 : i32
    %dma_start3A_18 = tpu.memref_slice %arg5[%dma_start3A_17] : memref<25600xi32, #tpu.memory_space<vmem>> -> memref<256xi32, #tpu.memory_space<vmem>>
    %dma_start3A_19 = arith.constant 0 : i32
    %dma_start3A_20 = arith.constant 0 : i32
    %dma_start3A_21 = tpu.memref_slice %arg3[%dma_start3A_19, %dma_start3A_20] : memref<1000000x64xf32, #tpu.memory_space<hbm>> -> memref<1000000x64xf32, #tpu.memory_space<hbm>>
    tpu.enqueue_indirect_dma source(%dma_start3A_21 : memref<1000000x64xf32, #tpu.memory_space<hbm>>) target(%dma_start3A_16 : memref<256x64xf32, #tpu.memory_space<vmem>>) offsets(%dma_start3A_18 : memref<256xi32, #tpu.memory_space<vmem>>) semaphore(%arg8 : memref<!tpu.dma_semaphore, #tpu.memory_space<semaphore_mem>>)
    %dma_start3A_22 = arith.constant 2 : i32
    %dma_start3A_23 = arith.constant 0 : i32
    %dma_start3A_24 = arith.constant 0 : i32
    %dma_start3A_25 = tpu.memref_slice %arg6[%dma_start3A_22, %dma_start3A_23, %dma_start3A_24] : memref<4x256x64xf32, #tpu.memory_space<vmem>> -> memref<1x256x64xf32, #tpu.memory_space<vmem>>
    %dma_start3A_26 = tpu.memref_squeeze %dma_start3A_25 : memref<1x256x64xf32, #tpu.memory_space<vmem>> -> memref<256x64xf32, #tpu.memory_space<vmem>>
    %dma_start3A_27 = arith.constant 512 : i32
    %dma_start3A_28 = tpu.memref_slice %arg5[%dma_start3A_27] : memref<25600xi32, #tpu.memory_space<vmem>> -> memref<256xi32, #tpu.memory_space<vmem>>
    %dma_start3A_29 = arith.constant 0 : i32
    %dma_start3A_30 = arith.constant 0 : i32
    %dma_start3A_31 = tpu.memref_slice %arg3[%dma_start3A_29, %dma_start3A_30] : memref<1000000x64xf32, #tpu.memory_space<hbm>> -> memref<1000000x64xf32, #tpu.memory_space<hbm>>
    tpu.enqueue_indirect_dma source(%dma_start3A_31 : memref<1000000x64xf32, #tpu.memory_space<hbm>>) target(%dma_start3A_26 : memref<256x64xf32, #tpu.memory_space<vmem>>) offsets(%dma_start3A_28 : memref<256xi32, #tpu.memory_space<vmem>>) semaphore(%arg9 : memref<!tpu.dma_semaphore, #tpu.memory_space<semaphore_mem>>)
    %scan3A = arith.constant 0 : i32
    %scan3A_32 = arith.constant 0 : i32
    %scan3A_33 = arith.constant 25 : i32
    %scan3A_34 = arith.addi %scan3A_32, %scan3A_33 : i32
    %scan3A_35 = arith.constant 1 : i32
    scf.for %scan3A_49 = %scan3A_32 to %scan3A_34 step %scan3A_35  : i32 {
      %mul3A_50 = arith.constant 4 : i32
      %mul3A_51 = arith.muli %scan3A_49, %mul3A_50 : i32
      %add3A_52 = arith.constant 0 : i32
      %add3A_53 = arith.addi %mul3A_51, %add3A_52 : i32
      %dma_wait3A_54 = arith.constant 0 : i32
      %dma_wait3A_55 = arith.constant 0 : i32
      %dma_wait3A_56 = arith.constant 0 : i32
      %dma_wait3A_57 = tpu.memref_slice %arg6[%dma_wait3A_54, %dma_wait3A_55, %dma_wait3A_56] : memref<4x256x64xf32, #tpu.memory_space<vmem>> -> memref<1x256x64xf32, #tpu.memory_space<vmem>>
      %dma_wait3A_58 = tpu.memref_squeeze %dma_wait3A_57 : memref<1x256x64xf32, #tpu.memory_space<vmem>> -> memref<256x64xf32, #tpu.memory_space<vmem>>
      %dma_wait3A_59 = arith.constant 0 : i32
      %dma_wait3A_60 = arith.constant 0 : i32
      %dma_wait3A_61 = tpu.memref_slice %arg3[%dma_wait3A_59, %dma_wait3A_60] : memref<1000000x64xf32, #tpu.memory_space<hbm>> -> memref<256x64xf32, #tpu.memory_space<hbm>>
      %dma_wait3A_62 = arith.constant 0 : i32
      %dma_wait3A_63 = arith.constant 0 : i32
      %dma_wait3A_64 = tpu.memref_slice %arg6[%dma_wait3A_54, %dma_wait3A_62, %dma_wait3A_63] : memref<4x256x64xf32, #tpu.memory_space<vmem>> -> memref<1x256x64xf32, #tpu.memory_space<vmem>>
      %dma_wait3A_65 = tpu.memref_squeeze %dma_wait3A_64 : memref<1x256x64xf32, #tpu.memory_space<vmem>> -> memref<256x64xf32, #tpu.memory_space<vmem>>
      %dma_wait3A_66 = arith.constant 0 : i32
      %dma_wait3A_67 = arith.constant 0 : i32
      %dma_wait3A_68 = tpu.memref_slice %arg3[%dma_wait3A_66, %dma_wait3A_67] : memref<1000000x64xf32, #tpu.memory_space<hbm>> -> memref<256x64xf32, #tpu.memory_space<hbm>>
      tpu.wait_dma2 semaphore(%arg7 : memref<!tpu.dma_semaphore, #tpu.memory_space<semaphore_mem>>) src(%dma_wait3A_68 : memref<256x64xf32, #tpu.memory_space<hbm>>) dst(%dma_wait3A_65 : memref<256x64xf32, #tpu.memory_space<vmem>>)
      %mul3A_69 = arith.constant 256 : i32
      %mul3A_70 = arith.muli %add3A_53, %mul3A_69 : i32
      %add3A_71 = arith.addi %mul3A_2, %mul3A_70 : i32
      %dma_start3A_72 = arith.constant 0 : i32
      %dma_start3A_73 = arith.constant 0 : i32
      %dma_start3A_74 = arith.constant 0 : i32
      %dma_start3A_75 = tpu.memref_slice %arg6[%dma_start3A_72, %dma_start3A_73, %dma_start3A_74] : memref<4x256x64xf32, #tpu.memory_space<vmem>> -> memref<1x256x64xf32, #tpu.memory_space<vmem>>
      %dma_start3A_76 = tpu.memref_squeeze %dma_start3A_75 : memref<1x256x64xf32, #tpu.memory_space<vmem>> -> memref<256x64xf32, #tpu.memory_space<vmem>>
      %dma_start3A_77 = arith.constant 0 : i32
      %dma_start3A_78 = tpu.memref_slice %arg4[%add3A_71, %dma_start3A_77] : memref<819200x64xf32, #tpu.memory_space<hbm>> -> memref<256x64xf32, #tpu.memory_space<hbm>>
      %dma_start3A_79 = arith.constant 0 : i32
      %dma_start3A_80 = tpu.memref_slice %arg4[%add3A_71, %dma_start3A_79] : memref<819200x64xf32, #tpu.memory_space<hbm>> -> memref<256x64xf32, #tpu.memory_space<hbm>>
      %dma_start3A_81 = arith.constant 0 : i32
      %dma_start3A_82 = arith.constant 0 : i32
      %dma_start3A_83 = tpu.memref_slice %arg6[%dma_start3A_72, %dma_start3A_81, %dma_start3A_82] : memref<4x256x64xf32, #tpu.memory_space<vmem>> -> memref<1x256x64xf32, #tpu.memory_space<vmem>>
      %dma_start3A_84 = tpu.memref_squeeze %dma_start3A_83 : memref<1x256x64xf32, #tpu.memory_space<vmem>> -> memref<256x64xf32, #tpu.memory_space<vmem>>
      tpu.enqueue_dma source(%dma_start3A_84 : memref<256x64xf32, #tpu.memory_space<vmem>>) target(%dma_start3A_80 : memref<256x64xf32, #tpu.memory_space<hbm>>) target_semaphore(%arg11 : memref<!tpu.dma_semaphore, #tpu.memory_space<semaphore_mem>>)
      %ge3A = arith.constant 1 : i32
      %ge3A_85 = arith.cmpi sge, %add3A_53, %ge3A : i32
      %convert_element_type3A = arith.extui %ge3A_85 : i1 to i32
      %cond3A = arith.constant 0 : i32
      %cond3A_86 = arith.cmpi ne, %convert_element_type3A, %cond3A : i32
      scf.if %cond3A_86 {
        %dma_wait3A_228 = arith.constant 3 : i32
        %dma_wait3A_229 = arith.constant 0 : i32
        %dma_wait3A_230 = arith.constant 0 : i32
        %dma_wait3A_231 = tpu.memref_slice %arg6[%dma_wait3A_228, %dma_wait3A_229, %dma_wait3A_230] : memref<4x256x64xf32, #tpu.memory_space<vmem>> -> memref<1x256x64xf32, #tpu.memory_space<vmem>>
        %dma_wait3A_232 = tpu.memref_squeeze %dma_wait3A_231 : memref<1x256x64xf32, #tpu.memory_space<vmem>> -> memref<256x64xf32, #tpu.memory_space<vmem>>
        %dma_wait3A_233 = arith.constant 0 : i32
        %dma_wait3A_234 = tpu.memref_slice %arg4[%mul3A_2, %dma_wait3A_233] : memref<819200x64xf32, #tpu.memory_space<hbm>> -> memref<256x64xf32, #tpu.memory_space<hbm>>
        %dma_wait3A_235 = arith.constant 0 : i32
        %dma_wait3A_236 = tpu.memref_slice %arg4[%mul3A_2, %dma_wait3A_235] : memref<819200x64xf32, #tpu.memory_space<hbm>> -> memref<256x64xf32, #tpu.memory_space<hbm>>
        %dma_wait3A_237 = arith.constant 0 : i32
        %dma_wait3A_238 = arith.constant 0 : i32
        %dma_wait3A_239 = tpu.memref_slice %arg6[%dma_wait3A_228, %dma_wait3A_237, %dma_wait3A_238] : memref<4x256x64xf32, #tpu.memory_space<vmem>> -> memref<1x256x64xf32, #tpu.memory_space<vmem>>
        %dma_wait3A_240 = tpu.memref_squeeze %dma_wait3A_239 : memref<1x256x64xf32, #tpu.memory_space<vmem>> -> memref<256x64xf32, #tpu.memory_space<vmem>>
        tpu.wait_dma2 semaphore(%arg14 : memref<!tpu.dma_semaphore, #tpu.memory_space<semaphore_mem>>) src(%dma_wait3A_240 : memref<256x64xf32, #tpu.memory_space<vmem>>) dst(%dma_wait3A_236 : memref<256x64xf32, #tpu.memory_space<hbm>>)
      } else {
      }
      %add3A_87 = arith.constant 3 : i32
      %add3A_88 = arith.addi %add3A_53, %add3A_87 : i32
      %lt3A = arith.constant 100 : i32
      %lt3A_89 = arith.cmpi slt, %add3A_88, %lt3A : i32
      %convert_element_type3A_90 = arith.extui %lt3A_89 : i1 to i32
      %cond3A_91 = arith.constant 0 : i32
      %cond3A_92 = arith.cmpi ne, %convert_element_type3A_90, %cond3A_91 : i32
      scf.if %cond3A_92 {
        %add3A_228 = arith.constant 3 : i32
        %add3A_229 = arith.addi %add3A_53, %add3A_228 : i32
        %mul3A_230 = arith.constant 256 : i32
        %mul3A_231 = arith.muli %add3A_229, %mul3A_230 : i32
        %dma_start3A_232 = arith.constant 3 : i32
        %dma_start3A_233 = arith.constant 0 : i32
        %dma_start3A_234 = arith.constant 0 : i32
        %dma_start3A_235 = tpu.memref_slice %arg6[%dma_start3A_232, %dma_start3A_233, %dma_start3A_234] : memref<4x256x64xf32, #tpu.memory_space<vmem>> -> memref<1x256x64xf32, #tpu.memory_space<vmem>>
        %dma_start3A_236 = tpu.memref_squeeze %dma_start3A_235 : memref<1x256x64xf32, #tpu.memory_space<vmem>> -> memref<256x64xf32, #tpu.memory_space<vmem>>
        %dma_start3A_237 = tpu.memref_slice %arg5[%mul3A_231] : memref<25600xi32, #tpu.memory_space<vmem>> -> memref<256xi32, #tpu.memory_space<vmem>>
        %dma_start3A_238 = arith.constant 0 : i32
        %dma_start3A_239 = arith.constant 0 : i32
        %dma_start3A_240 = tpu.memref_slice %arg3[%dma_start3A_238, %dma_start3A_239] : memref<1000000x64xf32, #tpu.memory_space<hbm>> -> memref<1000000x64xf32, #tpu.memory_space<hbm>>
        tpu.enqueue_indirect_dma source(%dma_start3A_240 : memref<1000000x64xf32, #tpu.memory_space<hbm>>) target(%dma_start3A_236 : memref<256x64xf32, #tpu.memory_space<vmem>>) offsets(%dma_start3A_237 : memref<256xi32, #tpu.memory_space<vmem>>) semaphore(%arg10 : memref<!tpu.dma_semaphore, #tpu.memory_space<semaphore_mem>>)
      } else {
      }
      %add3A_93 = arith.constant 1 : i32
      %add3A_94 = arith.addi %mul3A_51, %add3A_93 : i32
      %dma_wait3A_95 = arith.constant 1 : i32
      %dma_wait3A_96 = arith.constant 0 : i32
      %dma_wait3A_97 = arith.constant 0 : i32
      %dma_wait3A_98 = tpu.memref_slice %arg6[%dma_wait3A_95, %dma_wait3A_96, %dma_wait3A_97] : memref<4x256x64xf32, #tpu.memory_space<vmem>> -> memref<1x256x64xf32, #tpu.memory_space<vmem>>
      %dma_wait3A_99 = tpu.memref_squeeze %dma_wait3A_98 : memref<1x256x64xf32, #tpu.memory_space<vmem>> -> memref<256x64xf32, #tpu.memory_space<vmem>>
      %dma_wait3A_100 = arith.constant 0 : i32
      %dma_wait3A_101 = arith.constant 0 : i32
      %dma_wait3A_102 = tpu.memref_slice %arg3[%dma_wait3A_100, %dma_wait3A_101] : memref<1000000x64xf32, #tpu.memory_space<hbm>> -> memref<256x64xf32, #tpu.memory_space<hbm>>
      %dma_wait3A_103 = arith.constant 0 : i32
      %dma_wait3A_104 = arith.constant 0 : i32
      %dma_wait3A_105 = tpu.memref_slice %arg6[%dma_wait3A_95, %dma_wait3A_103, %dma_wait3A_104] : memref<4x256x64xf32, #tpu.memory_space<vmem>> -> memref<1x256x64xf32, #tpu.memory_space<vmem>>
      %dma_wait3A_106 = tpu.memref_squeeze %dma_wait3A_105 : memref<1x256x64xf32, #tpu.memory_space<vmem>> -> memref<256x64xf32, #tpu.memory_space<vmem>>
      %dma_wait3A_107 = arith.constant 0 : i32
      %dma_wait3A_108 = arith.constant 0 : i32
      %dma_wait3A_109 = tpu.memref_slice %arg3[%dma_wait3A_107, %dma_wait3A_108] : memref<1000000x64xf32, #tpu.memory_space<hbm>> -> memref<256x64xf32, #tpu.memory_space<hbm>>
      tpu.wait_dma2 semaphore(%arg8 : memref<!tpu.dma_semaphore, #tpu.memory_space<semaphore_mem>>) src(%dma_wait3A_109 : memref<256x64xf32, #tpu.memory_space<hbm>>) dst(%dma_wait3A_106 : memref<256x64xf32, #tpu.memory_space<vmem>>)
      %mul3A_110 = arith.constant 256 : i32
      %mul3A_111 = arith.muli %add3A_94, %mul3A_110 : i32
      %add3A_112 = arith.addi %mul3A_2, %mul3A_111 : i32
      %dma_start3A_113 = arith.constant 1 : i32
      %dma_start3A_114 = arith.constant 0 : i32
      %dma_start3A_115 = arith.constant 0 : i32
      %dma_start3A_116 = tpu.memref_slice %arg6[%dma_start3A_113, %dma_start3A_114, %dma_start3A_115] : memref<4x256x64xf32, #tpu.memory_space<vmem>> -> memref<1x256x64xf32, #tpu.memory_space<vmem>>
      %dma_start3A_117 = tpu.memref_squeeze %dma_start3A_116 : memref<1x256x64xf32, #tpu.memory_space<vmem>> -> memref<256x64xf32, #tpu.memory_space<vmem>>
      %dma_start3A_118 = arith.constant 0 : i32
      %dma_start3A_119 = tpu.memref_slice %arg4[%add3A_112, %dma_start3A_118] : memref<819200x64xf32, #tpu.memory_space<hbm>> -> memref<256x64xf32, #tpu.memory_space<hbm>>
      %dma_start3A_120 = arith.constant 0 : i32
      %dma_start3A_121 = tpu.memref_slice %arg4[%add3A_112, %dma_start3A_120] : memref<819200x64xf32, #tpu.memory_space<hbm>> -> memref<256x64xf32, #tpu.memory_space<hbm>>
      %dma_start3A_122 = arith.constant 0 : i32
      %dma_start3A_123 = arith.constant 0 : i32
      %dma_start3A_124 = tpu.memref_slice %arg6[%dma_start3A_113, %dma_start3A_122, %dma_start3A_123] : memref<4x256x64xf32, #tpu.memory_space<vmem>> -> memref<1x256x64xf32, #tpu.memory_space<vmem>>
      %dma_start3A_125 = tpu.memref_squeeze %dma_start3A_124 : memref<1x256x64xf32, #tpu.memory_space<vmem>> -> memref<256x64xf32, #tpu.memory_space<vmem>>
      tpu.enqueue_dma source(%dma_start3A_125 : memref<256x64xf32, #tpu.memory_space<vmem>>) target(%dma_start3A_121 : memref<256x64xf32, #tpu.memory_space<hbm>>) target_semaphore(%arg12 : memref<!tpu.dma_semaphore, #tpu.memory_space<semaphore_mem>>)
      %ge3A_126 = arith.constant 1 : i32
      %ge3A_127 = arith.cmpi sge, %add3A_94, %ge3A_126 : i32
      %convert_element_type3A_128 = arith.extui %ge3A_127 : i1 to i32
      %cond3A_129 = arith.constant 0 : i32
      %cond3A_130 = arith.cmpi ne, %convert_element_type3A_128, %cond3A_129 : i32
      scf.if %cond3A_130 {
        %dma_wait3A_228 = arith.constant 0 : i32
        %dma_wait3A_229 = arith.constant 0 : i32
        %dma_wait3A_230 = arith.constant 0 : i32
        %dma_wait3A_231 = tpu.memref_slice %arg6[%dma_wait3A_228, %dma_wait3A_229, %dma_wait3A_230] : memref<4x256x64xf32, #tpu.memory_space<vmem>> -> memref<1x256x64xf32, #tpu.memory_space<vmem>>
        %dma_wait3A_232 = tpu.memref_squeeze %dma_wait3A_231 : memref<1x256x64xf32, #tpu.memory_space<vmem>> -> memref<256x64xf32, #tpu.memory_space<vmem>>
        %dma_wait3A_233 = arith.constant 0 : i32
        %dma_wait3A_234 = tpu.memref_slice %arg4[%mul3A_2, %dma_wait3A_233] : memref<819200x64xf32, #tpu.memory_space<hbm>> -> memref<256x64xf32, #tpu.memory_space<hbm>>
        %dma_wait3A_235 = arith.constant 0 : i32
        %dma_wait3A_236 = tpu.memref_slice %arg4[%mul3A_2, %dma_wait3A_235] : memref<819200x64xf32, #tpu.memory_space<hbm>> -> memref<256x64xf32, #tpu.memory_space<hbm>>
        %dma_wait3A_237 = arith.constant 0 : i32
        %dma_wait3A_238 = arith.constant 0 : i32
        %dma_wait3A_239 = tpu.memref_slice %arg6[%dma_wait3A_228, %dma_wait3A_237, %dma_wait3A_238] : memref<4x256x64xf32, #tpu.memory_space<vmem>> -> memref<1x256x64xf32, #tpu.memory_space<vmem>>
        %dma_wait3A_240 = tpu.memref_squeeze %dma_wait3A_239 : memref<1x256x64xf32, #tpu.memory_space<vmem>> -> memref<256x64xf32, #tpu.memory_space<vmem>>
        tpu.wait_dma2 semaphore(%arg11 : memref<!tpu.dma_semaphore, #tpu.memory_space<semaphore_mem>>) src(%dma_wait3A_240 : memref<256x64xf32, #tpu.memory_space<vmem>>) dst(%dma_wait3A_236 : memref<256x64xf32, #tpu.memory_space<hbm>>)
      } else {
      }
      %add3A_131 = arith.constant 3 : i32
      %add3A_132 = arith.addi %add3A_94, %add3A_131 : i32
      %lt3A_133 = arith.constant 100 : i32
      %lt3A_134 = arith.cmpi slt, %add3A_132, %lt3A_133 : i32
      %convert_element_type3A_135 = arith.extui %lt3A_134 : i1 to i32
      %cond3A_136 = arith.constant 0 : i32
      %cond3A_137 = arith.cmpi ne, %convert_element_type3A_135, %cond3A_136 : i32
      scf.if %cond3A_137 {
        %add3A_228 = arith.constant 3 : i32
        %add3A_229 = arith.addi %add3A_94, %add3A_228 : i32
        %mul3A_230 = arith.constant 256 : i32
        %mul3A_231 = arith.muli %add3A_229, %mul3A_230 : i32
        %dma_start3A_232 = arith.constant 0 : i32
        %dma_start3A_233 = arith.constant 0 : i32
        %dma_start3A_234 = arith.constant 0 : i32
        %dma_start3A_235 = tpu.memref_slice %arg6[%dma_start3A_232, %dma_start3A_233, %dma_start3A_234] : memref<4x256x64xf32, #tpu.memory_space<vmem>> -> memref<1x256x64xf32, #tpu.memory_space<vmem>>
        %dma_start3A_236 = tpu.memref_squeeze %dma_start3A_235 : memref<1x256x64xf32, #tpu.memory_space<vmem>> -> memref<256x64xf32, #tpu.memory_space<vmem>>
        %dma_start3A_237 = tpu.memref_slice %arg5[%mul3A_231] : memref<25600xi32, #tpu.memory_space<vmem>> -> memref<256xi32, #tpu.memory_space<vmem>>
        %dma_start3A_238 = arith.constant 0 : i32
        %dma_start3A_239 = arith.constant 0 : i32
        %dma_start3A_240 = tpu.memref_slice %arg3[%dma_start3A_238, %dma_start3A_239] : memref<1000000x64xf32, #tpu.memory_space<hbm>> -> memref<1000000x64xf32, #tpu.memory_space<hbm>>
        tpu.enqueue_indirect_dma source(%dma_start3A_240 : memref<1000000x64xf32, #tpu.memory_space<hbm>>) target(%dma_start3A_236 : memref<256x64xf32, #tpu.memory_space<vmem>>) offsets(%dma_start3A_237 : memref<256xi32, #tpu.memory_space<vmem>>) semaphore(%arg7 : memref<!tpu.dma_semaphore, #tpu.memory_space<semaphore_mem>>)
      } else {
      }
      %add3A_138 = arith.constant 2 : i32
      %add3A_139 = arith.addi %mul3A_51, %add3A_138 : i32
      %dma_wait3A_140 = arith.constant 2 : i32
      %dma_wait3A_141 = arith.constant 0 : i32
      %dma_wait3A_142 = arith.constant 0 : i32
      %dma_wait3A_143 = tpu.memref_slice %arg6[%dma_wait3A_140, %dma_wait3A_141, %dma_wait3A_142] : memref<4x256x64xf32, #tpu.memory_space<vmem>> -> memref<1x256x64xf32, #tpu.memory_space<vmem>>
      %dma_wait3A_144 = tpu.memref_squeeze %dma_wait3A_143 : memref<1x256x64xf32, #tpu.memory_space<vmem>> -> memref<256x64xf32, #tpu.memory_space<vmem>>
      %dma_wait3A_145 = arith.constant 0 : i32
      %dma_wait3A_146 = arith.constant 0 : i32
      %dma_wait3A_147 = tpu.memref_slice %arg3[%dma_wait3A_145, %dma_wait3A_146] : memref<1000000x64xf32, #tpu.memory_space<hbm>> -> memref<256x64xf32, #tpu.memory_space<hbm>>
      %dma_wait3A_148 = arith.constant 0 : i32
      %dma_wait3A_149 = arith.constant 0 : i32
      %dma_wait3A_150 = tpu.memref_slice %arg6[%dma_wait3A_140, %dma_wait3A_148, %dma_wait3A_149] : memref<4x256x64xf32, #tpu.memory_space<vmem>> -> memref<1x256x64xf32, #tpu.memory_space<vmem>>
      %dma_wait3A_151 = tpu.memref_squeeze %dma_wait3A_150 : memref<1x256x64xf32, #tpu.memory_space<vmem>> -> memref<256x64xf32, #tpu.memory_space<vmem>>
      %dma_wait3A_152 = arith.constant 0 : i32
      %dma_wait3A_153 = arith.constant 0 : i32
      %dma_wait3A_154 = tpu.memref_slice %arg3[%dma_wait3A_152, %dma_wait3A_153] : memref<1000000x64xf32, #tpu.memory_space<hbm>> -> memref<256x64xf32, #tpu.memory_space<hbm>>
      tpu.wait_dma2 semaphore(%arg9 : memref<!tpu.dma_semaphore, #tpu.memory_space<semaphore_mem>>) src(%dma_wait3A_154 : memref<256x64xf32, #tpu.memory_space<hbm>>) dst(%dma_wait3A_151 : memref<256x64xf32, #tpu.memory_space<vmem>>)
      %mul3A_155 = arith.constant 256 : i32
      %mul3A_156 = arith.muli %add3A_139, %mul3A_155 : i32
      %add3A_157 = arith.addi %mul3A_2, %mul3A_156 : i32
      %dma_start3A_158 = arith.constant 2 : i32
      %dma_start3A_159 = arith.constant 0 : i32
      %dma_start3A_160 = arith.constant 0 : i32
      %dma_start3A_161 = tpu.memref_slice %arg6[%dma_start3A_158, %dma_start3A_159, %dma_start3A_160] : memref<4x256x64xf32, #tpu.memory_space<vmem>> -> memref<1x256x64xf32, #tpu.memory_space<vmem>>
      %dma_start3A_162 = tpu.memref_squeeze %dma_start3A_161 : memref<1x256x64xf32, #tpu.memory_space<vmem>> -> memref<256x64xf32, #tpu.memory_space<vmem>>
      %dma_start3A_163 = arith.constant 0 : i32
      %dma_start3A_164 = tpu.memref_slice %arg4[%add3A_157, %dma_start3A_163] : memref<819200x64xf32, #tpu.memory_space<hbm>> -> memref<256x64xf32, #tpu.memory_space<hbm>>
      %dma_start3A_165 = arith.constant 0 : i32
      %dma_start3A_166 = tpu.memref_slice %arg4[%add3A_157, %dma_start3A_165] : memref<819200x64xf32, #tpu.memory_space<hbm>> -> memref<256x64xf32, #tpu.memory_space<hbm>>
      %dma_start3A_167 = arith.constant 0 : i32
      %dma_start3A_168 = arith.constant 0 : i32
      %dma_start3A_169 = tpu.memref_slice %arg6[%dma_start3A_158, %dma_start3A_167, %dma_start3A_168] : memref<4x256x64xf32, #tpu.memory_space<vmem>> -> memref<1x256x64xf32, #tpu.memory_space<vmem>>
      %dma_start3A_170 = tpu.memref_squeeze %dma_start3A_169 : memref<1x256x64xf32, #tpu.memory_space<vmem>> -> memref<256x64xf32, #tpu.memory_space<vmem>>
      tpu.enqueue_dma source(%dma_start3A_170 : memref<256x64xf32, #tpu.memory_space<vmem>>) target(%dma_start3A_166 : memref<256x64xf32, #tpu.memory_space<hbm>>) target_semaphore(%arg13 : memref<!tpu.dma_semaphore, #tpu.memory_space<semaphore_mem>>)
      %ge3A_171 = arith.constant 1 : i32
      %ge3A_172 = arith.cmpi sge, %add3A_139, %ge3A_171 : i32
      %convert_element_type3A_173 = arith.extui %ge3A_172 : i1 to i32
      %cond3A_174 = arith.constant 0 : i32
      %cond3A_175 = arith.cmpi ne, %convert_element_type3A_173, %cond3A_174 : i32
      scf.if %cond3A_175 {
        %dma_wait3A_228 = arith.constant 1 : i32
        %dma_wait3A_229 = arith.constant 0 : i32
        %dma_wait3A_230 = arith.constant 0 : i32
        %dma_wait3A_231 = tpu.memref_slice %arg6[%dma_wait3A_228, %dma_wait3A_229, %dma_wait3A_230] : memref<4x256x64xf32, #tpu.memory_space<vmem>> -> memref<1x256x64xf32, #tpu.memory_space<vmem>>
        %dma_wait3A_232 = tpu.memref_squeeze %dma_wait3A_231 : memref<1x256x64xf32, #tpu.memory_space<vmem>> -> memref<256x64xf32, #tpu.memory_space<vmem>>
        %dma_wait3A_233 = arith.constant 0 : i32
        %dma_wait3A_234 = tpu.memref_slice %arg4[%mul3A_2, %dma_wait3A_233] : memref<819200x64xf32, #tpu.memory_space<hbm>> -> memref<256x64xf32, #tpu.memory_space<hbm>>
        %dma_wait3A_235 = arith.constant 0 : i32
        %dma_wait3A_236 = tpu.memref_slice %arg4[%mul3A_2, %dma_wait3A_235] : memref<819200x64xf32, #tpu.memory_space<hbm>> -> memref<256x64xf32, #tpu.memory_space<hbm>>
        %dma_wait3A_237 = arith.constant 0 : i32
        %dma_wait3A_238 = arith.constant 0 : i32
        %dma_wait3A_239 = tpu.memref_slice %arg6[%dma_wait3A_228, %dma_wait3A_237, %dma_wait3A_238] : memref<4x256x64xf32, #tpu.memory_space<vmem>> -> memref<1x256x64xf32, #tpu.memory_space<vmem>>
        %dma_wait3A_240 = tpu.memref_squeeze %dma_wait3A_239 : memref<1x256x64xf32, #tpu.memory_space<vmem>> -> memref<256x64xf32, #tpu.memory_space<vmem>>
        tpu.wait_dma2 semaphore(%arg12 : memref<!tpu.dma_semaphore, #tpu.memory_space<semaphore_mem>>) src(%dma_wait3A_240 : memref<256x64xf32, #tpu.memory_space<vmem>>) dst(%dma_wait3A_236 : memref<256x64xf32, #tpu.memory_space<hbm>>)
      } else {
      }
      %add3A_176 = arith.constant 3 : i32
      %add3A_177 = arith.addi %add3A_139, %add3A_176 : i32
      %lt3A_178 = arith.constant 100 : i32
      %lt3A_179 = arith.cmpi slt, %add3A_177, %lt3A_178 : i32
      %convert_element_type3A_180 = arith.extui %lt3A_179 : i1 to i32
      %cond3A_181 = arith.constant 0 : i32
      %cond3A_182 = arith.cmpi ne, %convert_element_type3A_180, %cond3A_181 : i32
      scf.if %cond3A_182 {
        %add3A_228 = arith.constant 3 : i32
        %add3A_229 = arith.addi %add3A_139, %add3A_228 : i32
        %mul3A_230 = arith.constant 256 : i32
        %mul3A_231 = arith.muli %add3A_229, %mul3A_230 : i32
        %dma_start3A_232 = arith.constant 1 : i32
        %dma_start3A_233 = arith.constant 0 : i32
        %dma_start3A_234 = arith.constant 0 : i32
        %dma_start3A_235 = tpu.memref_slice %arg6[%dma_start3A_232, %dma_start3A_233, %dma_start3A_234] : memref<4x256x64xf32, #tpu.memory_space<vmem>> -> memref<1x256x64xf32, #tpu.memory_space<vmem>>
        %dma_start3A_236 = tpu.memref_squeeze %dma_start3A_235 : memref<1x256x64xf32, #tpu.memory_space<vmem>> -> memref<256x64xf32, #tpu.memory_space<vmem>>
        %dma_start3A_237 = tpu.memref_slice %arg5[%mul3A_231] : memref<25600xi32, #tpu.memory_space<vmem>> -> memref<256xi32, #tpu.memory_space<vmem>>
        %dma_start3A_238 = arith.constant 0 : i32
        %dma_start3A_239 = arith.constant 0 : i32
        %dma_start3A_240 = tpu.memref_slice %arg3[%dma_start3A_238, %dma_start3A_239] : memref<1000000x64xf32, #tpu.memory_space<hbm>> -> memref<1000000x64xf32, #tpu.memory_space<hbm>>
        tpu.enqueue_indirect_dma source(%dma_start3A_240 : memref<1000000x64xf32, #tpu.memory_space<hbm>>) target(%dma_start3A_236 : memref<256x64xf32, #tpu.memory_space<vmem>>) offsets(%dma_start3A_237 : memref<256xi32, #tpu.memory_space<vmem>>) semaphore(%arg8 : memref<!tpu.dma_semaphore, #tpu.memory_space<semaphore_mem>>)
      } else {
      }
      %add3A_183 = arith.constant 3 : i32
      %add3A_184 = arith.addi %mul3A_51, %add3A_183 : i32
      %dma_wait3A_185 = arith.constant 3 : i32
      %dma_wait3A_186 = arith.constant 0 : i32
      %dma_wait3A_187 = arith.constant 0 : i32
      %dma_wait3A_188 = tpu.memref_slice %arg6[%dma_wait3A_185, %dma_wait3A_186, %dma_wait3A_187] : memref<4x256x64xf32, #tpu.memory_space<vmem>> -> memref<1x256x64xf32, #tpu.memory_space<vmem>>
      %dma_wait3A_189 = tpu.memref_squeeze %dma_wait3A_188 : memref<1x256x64xf32, #tpu.memory_space<vmem>> -> memref<256x64xf32, #tpu.memory_space<vmem>>
      %dma_wait3A_190 = arith.constant 0 : i32
      %dma_wait3A_191 = arith.constant 0 : i32
      %dma_wait3A_192 = tpu.memref_slice %arg3[%dma_wait3A_190, %dma_wait3A_191] : memref<1000000x64xf32, #tpu.memory_space<hbm>> -> memref<256x64xf32, #tpu.memory_space<hbm>>
      %dma_wait3A_193 = arith.constant 0 : i32
      %dma_wait3A_194 = arith.constant 0 : i32
      %dma_wait3A_195 = tpu.memref_slice %arg6[%dma_wait3A_185, %dma_wait3A_193, %dma_wait3A_194] : memref<4x256x64xf32, #tpu.memory_space<vmem>> -> memref<1x256x64xf32, #tpu.memory_space<vmem>>
      %dma_wait3A_196 = tpu.memref_squeeze %dma_wait3A_195 : memref<1x256x64xf32, #tpu.memory_space<vmem>> -> memref<256x64xf32, #tpu.memory_space<vmem>>
      %dma_wait3A_197 = arith.constant 0 : i32
      %dma_wait3A_198 = arith.constant 0 : i32
      %dma_wait3A_199 = tpu.memref_slice %arg3[%dma_wait3A_197, %dma_wait3A_198] : memref<1000000x64xf32, #tpu.memory_space<hbm>> -> memref<256x64xf32, #tpu.memory_space<hbm>>
      tpu.wait_dma2 semaphore(%arg10 : memref<!tpu.dma_semaphore, #tpu.memory_space<semaphore_mem>>) src(%dma_wait3A_199 : memref<256x64xf32, #tpu.memory_space<hbm>>) dst(%dma_wait3A_196 : memref<256x64xf32, #tpu.memory_space<vmem>>)
      %mul3A_200 = arith.constant 256 : i32
      %mul3A_201 = arith.muli %add3A_184, %mul3A_200 : i32
      %add3A_202 = arith.addi %mul3A_2, %mul3A_201 : i32
      %dma_start3A_203 = arith.constant 3 : i32
      %dma_start3A_204 = arith.constant 0 : i32
      %dma_start3A_205 = arith.constant 0 : i32
      %dma_start3A_206 = tpu.memref_slice %arg6[%dma_start3A_203, %dma_start3A_204, %dma_start3A_205] : memref<4x256x64xf32, #tpu.memory_space<vmem>> -> memref<1x256x64xf32, #tpu.memory_space<vmem>>
      %dma_start3A_207 = tpu.memref_squeeze %dma_start3A_206 : memref<1x256x64xf32, #tpu.memory_space<vmem>> -> memref<256x64xf32, #tpu.memory_space<vmem>>
      %dma_start3A_208 = arith.constant 0 : i32
      %dma_start3A_209 = tpu.memref_slice %arg4[%add3A_202, %dma_start3A_208] : memref<819200x64xf32, #tpu.memory_space<hbm>> -> memref<256x64xf32, #tpu.memory_space<hbm>>
      %dma_start3A_210 = arith.constant 0 : i32
      %dma_start3A_211 = tpu.memref_slice %arg4[%add3A_202, %dma_start3A_210] : memref<819200x64xf32, #tpu.memory_space<hbm>> -> memref<256x64xf32, #tpu.memory_space<hbm>>
      %dma_start3A_212 = arith.constant 0 : i32
      %dma_start3A_213 = arith.constant 0 : i32
      %dma_start3A_214 = tpu.memref_slice %arg6[%dma_start3A_203, %dma_start3A_212, %dma_start3A_213] : memref<4x256x64xf32, #tpu.memory_space<vmem>> -> memref<1x256x64xf32, #tpu.memory_space<vmem>>
      %dma_start3A_215 = tpu.memref_squeeze %dma_start3A_214 : memref<1x256x64xf32, #tpu.memory_space<vmem>> -> memref<256x64xf32, #tpu.memory_space<vmem>>
      tpu.enqueue_dma source(%dma_start3A_215 : memref<256x64xf32, #tpu.memory_space<vmem>>) target(%dma_start3A_211 : memref<256x64xf32, #tpu.memory_space<hbm>>) target_semaphore(%arg14 : memref<!tpu.dma_semaphore, #tpu.memory_space<semaphore_mem>>)
      %ge3A_216 = arith.constant 1 : i32
      %ge3A_217 = arith.cmpi sge, %add3A_184, %ge3A_216 : i32
      %convert_element_type3A_218 = arith.extui %ge3A_217 : i1 to i32
      %cond3A_219 = arith.constant 0 : i32
      %cond3A_220 = arith.cmpi ne, %convert_element_type3A_218, %cond3A_219 : i32
      scf.if %cond3A_220 {
        %dma_wait3A_228 = arith.constant 2 : i32
        %dma_wait3A_229 = arith.constant 0 : i32
        %dma_wait3A_230 = arith.constant 0 : i32
        %dma_wait3A_231 = tpu.memref_slice %arg6[%dma_wait3A_228, %dma_wait3A_229, %dma_wait3A_230] : memref<4x256x64xf32, #tpu.memory_space<vmem>> -> memref<1x256x64xf32, #tpu.memory_space<vmem>>
        %dma_wait3A_232 = tpu.memref_squeeze %dma_wait3A_231 : memref<1x256x64xf32, #tpu.memory_space<vmem>> -> memref<256x64xf32, #tpu.memory_space<vmem>>
        %dma_wait3A_233 = arith.constant 0 : i32
        %dma_wait3A_234 = tpu.memref_slice %arg4[%mul3A_2, %dma_wait3A_233] : memref<819200x64xf32, #tpu.memory_space<hbm>> -> memref<256x64xf32, #tpu.memory_space<hbm>>
        %dma_wait3A_235 = arith.constant 0 : i32
        %dma_wait3A_236 = tpu.memref_slice %arg4[%mul3A_2, %dma_wait3A_235] : memref<819200x64xf32, #tpu.memory_space<hbm>> -> memref<256x64xf32, #tpu.memory_space<hbm>>
        %dma_wait3A_237 = arith.constant 0 : i32
        %dma_wait3A_238 = arith.constant 0 : i32
        %dma_wait3A_239 = tpu.memref_slice %arg6[%dma_wait3A_228, %dma_wait3A_237, %dma_wait3A_238] : memref<4x256x64xf32, #tpu.memory_space<vmem>> -> memref<1x256x64xf32, #tpu.memory_space<vmem>>
        %dma_wait3A_240 = tpu.memref_squeeze %dma_wait3A_239 : memref<1x256x64xf32, #tpu.memory_space<vmem>> -> memref<256x64xf32, #tpu.memory_space<vmem>>
        tpu.wait_dma2 semaphore(%arg13 : memref<!tpu.dma_semaphore, #tpu.memory_space<semaphore_mem>>) src(%dma_wait3A_240 : memref<256x64xf32, #tpu.memory_space<vmem>>) dst(%dma_wait3A_236 : memref<256x64xf32, #tpu.memory_space<hbm>>)
      } else {
      }
      %add3A_221 = arith.constant 3 : i32
      %add3A_222 = arith.addi %add3A_184, %add3A_221 : i32
      %lt3A_223 = arith.constant 100 : i32
      %lt3A_224 = arith.cmpi slt, %add3A_222, %lt3A_223 : i32
      %convert_element_type3A_225 = arith.extui %lt3A_224 : i1 to i32
      %cond3A_226 = arith.constant 0 : i32
      %cond3A_227 = arith.cmpi ne, %convert_element_type3A_225, %cond3A_226 : i32
      scf.if %cond3A_227 {
        %add3A_228 = arith.constant 3 : i32
        %add3A_229 = arith.addi %add3A_184, %add3A_228 : i32
        %mul3A_230 = arith.constant 256 : i32
        %mul3A_231 = arith.muli %add3A_229, %mul3A_230 : i32
        %dma_start3A_232 = arith.constant 2 : i32
        %dma_start3A_233 = arith.constant 0 : i32
        %dma_start3A_234 = arith.constant 0 : i32
        %dma_start3A_235 = tpu.memref_slice %arg6[%dma_start3A_232, %dma_start3A_233, %dma_start3A_234] : memref<4x256x64xf32, #tpu.memory_space<vmem>> -> memref<1x256x64xf32, #tpu.memory_space<vmem>>
        %dma_start3A_236 = tpu.memref_squeeze %dma_start3A_235 : memref<1x256x64xf32, #tpu.memory_space<vmem>> -> memref<256x64xf32, #tpu.memory_space<vmem>>
        %dma_start3A_237 = tpu.memref_slice %arg5[%mul3A_231] : memref<25600xi32, #tpu.memory_space<vmem>> -> memref<256xi32, #tpu.memory_space<vmem>>
        %dma_start3A_238 = arith.constant 0 : i32
        %dma_start3A_239 = arith.constant 0 : i32
        %dma_start3A_240 = tpu.memref_slice %arg3[%dma_start3A_238, %dma_start3A_239] : memref<1000000x64xf32, #tpu.memory_space<hbm>> -> memref<1000000x64xf32, #tpu.memory_space<hbm>>
        tpu.enqueue_indirect_dma source(%dma_start3A_240 : memref<1000000x64xf32, #tpu.memory_space<hbm>>) target(%dma_start3A_236 : memref<256x64xf32, #tpu.memory_space<vmem>>) offsets(%dma_start3A_237 : memref<256xi32, #tpu.memory_space<vmem>>) semaphore(%arg9 : memref<!tpu.dma_semaphore, #tpu.memory_space<semaphore_mem>>)
      } else {
      }
    }
    %scan3A_36 = arith.constant 25 : i32
    %dma_wait3A = arith.constant 3 : i32
    %dma_wait3A_37 = arith.constant 0 : i32
    %dma_wait3A_38 = arith.constant 0 : i32
    %dma_wait3A_39 = tpu.memref_slice %arg6[%dma_wait3A, %dma_wait3A_37, %dma_wait3A_38] : memref<4x256x64xf32, #tpu.memory_space<vmem>> -> memref<1x256x64xf32, #tpu.memory_space<vmem>>
    %dma_wait3A_40 = tpu.memref_squeeze %dma_wait3A_39 : memref<1x256x64xf32, #tpu.memory_space<vmem>> -> memref<256x64xf32, #tpu.memory_space<vmem>>
    %dma_wait3A_41 = arith.constant 0 : i32
    %dma_wait3A_42 = tpu.memref_slice %arg4[%mul3A_2, %dma_wait3A_41] : memref<819200x64xf32, #tpu.memory_space<hbm>> -> memref<256x64xf32, #tpu.memory_space<hbm>>
    %dma_wait3A_43 = arith.constant 0 : i32
    %dma_wait3A_44 = tpu.memref_slice %arg4[%mul3A_2, %dma_wait3A_43] : memref<819200x64xf32, #tpu.memory_space<hbm>> -> memref<256x64xf32, #tpu.memory_space<hbm>>
    %dma_wait3A_45 = arith.constant 0 : i32
    %dma_wait3A_46 = arith.constant 0 : i32
    %dma_wait3A_47 = tpu.memref_slice %arg6[%dma_wait3A, %dma_wait3A_45, %dma_wait3A_46] : memref<4x256x64xf32, #tpu.memory_space<vmem>> -> memref<1x256x64xf32, #tpu.memory_space<vmem>>
    %dma_wait3A_48 = tpu.memref_squeeze %dma_wait3A_47 : memref<1x256x64xf32, #tpu.memory_space<vmem>> -> memref<256x64xf32, #tpu.memory_space<vmem>>
    tpu.wait_dma2 semaphore(%arg14 : memref<!tpu.dma_semaphore, #tpu.memory_space<semaphore_mem>>) src(%dma_wait3A_48 : memref<256x64xf32, #tpu.memory_space<vmem>>) dst(%dma_wait3A_44 : memref<256x64xf32, #tpu.memory_space<hbm>>)
    return
  }
}

</mosaic_0001>

<sc_bundles>
// kernel: kernel.3.cloned.1.call-start
scs
__scs_entry_jumppad:
0x0: {  	(pc) =	sbr.rel $0x88, $3  }
0x1: {  	(tag) =	ssettag $0x0;
	lr =	simm.s32 $0x1  }
0x2: {  	[smem:$0x3F9F] =	sst lr;
	_ =	strace $0xD0000000  }
0x3: {  	_ = 	snop  }
0x4: {  	_ = 	snop  }
0x5: {  	_ = 	snop  }
0x6: {  	_ = 	snop  }
0x7: {  	_ = 	snop  }
__scs_overlays_trampoline_lowered:
0x8: {  	[smem:$0x3FAE] =	sst s0  }
0x9: {  	[smem:$0x3FAF] =	sst s1  }
0xa: {  	[smem:$0x3FB0] =	sst s2  }
0xb: {  	[smem:$0x3FB1] =	sst s3  }
0xc: {  	[smem:$0x3FB2] =	sst s4  }
0xd: {  	[smem:$0x3FB3] =	sst s5  }
0xe: {  	[smem:$0x3FB4] =	sst s6  }
0xf: {  	[smem:$0x3FB5] =	sst s7  }
0x10: {  	[smem:$0x3FB6] =	sst s8  }
0x11: {  	[smem:$0x3FB7] =	sst s9;
	s0 =	simm.s32 @!p0 $0x0  }
0x12: {  	s1 =	sld [smem:$0x3F9D];
	s0 =	simm.s32 @p0 $0x1  }
0x13: {  	[smem:$0x3FB8] =	sst s0;
	s0 =	simm.s32 @!p1 $0x0  }
0x14: {  	s2 =	sld [smem:$0x3F9C];
	s0 =	simm.s32 @p1 $0x1  }
0x15: {  	[smem:$0x3FB9] =	sst s0;
	s0 =	simm.s32 @!p2 $0x0  }
0x16: {  	s3 =	sld [smem:$0x3FDB];
	s0 =	simm.s32 @p2 $0x1  }
0x17: {  	s4 =	simm.s32 $0x1BF5;
	[smem:$0x3FBB] =	sst s0  }
0x18: {  	s0 =	sld [smem:$0x3F9E];
	_ =	swait.ge [sflag:s4], $0x0  }
0x19: {  	s7 =	sld [smem:$0x3F9F]  }
0x1a: {  	s8 =	sadd.s32 $0xFFFFE003, lr  }
0x1b: {  	s9 =	sadd.s32 $0xFFFFFEF7, lr;
	s5 =	simm.s32 $0xFFFFFFFF;
	p2 =	slt.u32 s8, $0xFFFFF086  }
0x1c: {  	p1 =	slt.u32 s9, $0xF7A;
	s5 =	simm.s32 @!p2 $0x0  }
0x1d: {  	s5 =	simm.s32 @p1 $0x1;
	p0 =	seq.s32 s7, s2  }
0x1e: {  	s7 =	smul.u32 @!p0 $0xF7A, s2;
	p2 =	seq.s32 @!p0 s5, $0x0  }
0x1f: {  	s9 =	smul.u32 $0xF7A, s1;
	s8 =	simm.s32 @!p0 $0x1BF5;
	p2 =	por !p2, p0  }
0x20: {  	[sflag:s8] =	ssyncset.s32 @!p0 $0xFFFFF086;
	s6 =	sadd.s32 @!p0 s3, s7;
	s7 =	simm.s32 @!p0 $0x108  }
0x21: {  	s3 =	sadd.s32 s3, s9;
	s6 =	sadd.s32 @!p0 $0x88, s6;
	s7 =	simm.s32 @p2 $0x1082  }
0x22: {  	[simem:s7], [sflag:s8] =	dma.local @!p0 [hbm:s6], $0xF7A  }
0x23: {  	s9 =	sor.u32 $0xD0000000, s2;
	s6 =	simm.s32 $0x108;
	_ =	swait.ge @!p0 [sflag:s8], $0x0  }
0x24: {  	s3 =	sadd.s32 $0x88, s3;
	s6 =	simm.s32 @!p1 $0x1082;
	[sflag:s4] =	ssyncset.s32 $0xFFFFF086  }
0x25: {  	[simem:s6], [sflag:s4] =	dma.local [hbm:s3], $0xF7A  }
0x26: {  	[smem:$0x3F9F] =	sst s1;
	(tag) =	ssettag s2;
	_ =	strace s9  }
0x27: {  	s1 =	sld [smem:$0x3FAF]  }
0x28: {  	s2 =	sld [smem:$0x3FB0]  }
0x29: {  	s4 =	sld [smem:$0x3FB2]  }
0x2a: {  	p0 =	seq.s32 s5, $0x0;
	s5 =	sld [smem:$0x3FB3]  }
0x2b: {  	s6 =	sld [smem:$0x3FB4]  }
0x2c: {  	s7 =	sld [smem:$0x3FB5]  }
0x2d: {  	s3 =	simm.s32 $0x108;
	s8 =	sld [smem:$0x3FB6]  }
0x2e: {  	s3 =	simm.s32 @!p0 $0x1082;
	s9 =	sld [smem:$0x3FB7]  }
0x2f: {  	lr =	sadd.s32 s0, s3;
	s0 =	sld [smem:$0x3FAE]  }
0x30: {  	s3 =	sld [smem:$0x3FB1]  }
0x31: {  	[smem:$0x3FBA] =	sst s10  }
0x32: {  	s10 =	sld [smem:$0x3FB8];
	_ =	sdelay $0x3  }
0x33: {  	p0 =	seq.s32 s10, $0x1;
	s10 =	sld [smem:$0x3FBA];
	_ =	sdelay $0x3  }
0x34: {  	[smem:$0x3FBA] =	sst s10  }
0x35: {  	s10 =	sld [smem:$0x3FB9];
	_ =	sdelay $0x3  }
0x36: {  	p1 =	seq.s32 s10, $0x1;
	s10 =	sld [smem:$0x3FBA];
	_ =	sdelay $0x3  }
0x37: {  	[smem:$0x3FBA] =	sst s10  }
0x38: {  	s10 =	sld [smem:$0x3FBB]  }
0x39: {  	_ = 	snop;
	(pc) =	sbr.ind lr, $3  }
0x3a: {  	_ = 	snop  }
0x3b: {  	_ = 	snop  }
0x3c: {  	p2 =	seq.s32 s10, $0x1;
	s10 =	sld [smem:$0x3FBA]  }
0x3d: {  	_ =	shalt  }
0x3e: {  	_ =	shalt  }
0x3f: {  	_ =	shalt  }
0x40: {  	_ =	shalt  }
0x41: {  	_ =	shalt  }
0x42: {  	_ =	shalt  }
0x43: {  	_ =	shalt  }
0x44: {  	_ =	shalt  }
0x45: {  	_ =	shalt  }
0x46: {  	_ =	shalt  }
0x47: {  	_ =	shalt  }
0x48: {  	_ =	shalt  }
0x49: {  	_ =	shalt  }
0x4a: {  	_ =	shalt  }
0x4b: {  	_ =	shalt  }
0x4c: {  	_ =	shalt  }
0x4d: {  	_ =	shalt  }
0x4e: {  	_ =	shalt  }
0x4f: {  	_ =	shalt  }
0x50: {  	_ =	shalt  }
0x51: {  	_ =	shalt  }
0x52: {  	_ =	shalt  }
0x53: {  	_ =	shalt  }
0x54: {  	_ =	shalt  }
0x55: {  	_ =	shalt  }
0x56: {  	_ =	shalt  }
0x57: {  	_ =	shalt  }
0x58: {  	_ =	shalt  }
0x59: {  	_ =	shalt  }
0x5a: {  	_ =	shalt  }
0x5b: {  	_ =	shalt  }
0x5c: {  	_ =	shalt  }
0x5d: {  	_ =	shalt  }
0x5e: {  	_ =	shalt  }
0x5f: {  	_ =	shalt  }
0x60: {  	_ =	shalt  }
0x61: {  	_ =	shalt  }
0x62: {  	_ =	shalt  }
0x63: {  	_ =	shalt  }
0x64: {  	_ =	shalt  }
0x65: {  	_ =	shalt  }
0x66: {  	_ =	shalt  }
0x67: {  	_ =	shalt  }
0x68: {  	_ =	shalt  }
0x69: {  	_ =	shalt  }
0x6a: {  	_ =	shalt  }
0x6b: {  	_ =	shalt  }
0x6c: {  	_ =	shalt  }
0x6d: {  	_ =	shalt  }
0x6e: {  	_ =	shalt  }
0x6f: {  	_ =	shalt  }
0x70: {  	_ =	shalt  }
0x71: {  	_ =	shalt  }
0x72: {  	_ =	shalt  }
0x73: {  	_ =	shalt  }
0x74: {  	_ =	shalt  }
0x75: {  	_ =	shalt  }
0x76: {  	_ =	shalt  }
0x77: {  	_ =	shalt  }
0x78: {  	_ =	shalt  }
0x79: {  	_ =	shalt  }
0x7a: {  	_ =	shalt  }
0x7b: {  	_ =	shalt  }
0x7c: {  	_ =	shalt  }
0x7d: {  	_ =	shalt  }
0x7e: {  	_ =	shalt  }
0x7f: {  	_ =	shalt  }
0x80: {  	_ =	shalt  }
0x81: {  	_ =	shalt  }
0x82: {  	_ =	shalt  }
0x83: {  	_ =	shalt  }
0x84: {  	_ =	shalt  }
0x85: {  	_ =	shalt  }
0x86: {  	_ =	shalt  }
0x87: {  	_ =	shalt  }
.Lfunc_end0:
.L_simem_size_0:
called_computation.1_lowered:
.L_overlay_start_0:
0x88: {  	s2 =	sld [smem:$0x3FD9]  }
0x89: {  	s3 =	sld [smem:$0x3FFE];
	_ =	sdelay $0x1  }
0x8a: {  	s1 =	srdreg.scid  }
0x8b: {  	s0 =	sand.u32 $0x1, s1  }
0x8c: {  	s17 =	sshll.u32 s0, $0xA;
	s2 =	sadd.s32 s3, s2  }
0x8d: {  	s2 =	sadd.s32 s2, s17  }
0x8e: {  	[smem:$0x3FC6] =	sst s2  }
0x8f: {  	_ = 	snop  }
0x90: {  	s2 =	sld [smem:$0x3FD0];
	(tm) =	ssettm $0x1  }
0x91: {  	s18 =	sld [smem:$0x3FFB];
	_ =	sdelay $0x3  }
0x92: {  	_ =	strace s18  }
0x93: {  	s3 =	sld [smem:$0x3FFC];
	_ =	sdelay $0x3  }
0x94: {  	_ =	strace s3  }
0x95: {  	s3 =	sld [smem:$0x3FFD];
	_ =	sdelay $0x3  }
0x96: {  	_ =	strace s3  }
0x97: {  	_ =	strace $0x8FFFFFFF  }
0x98: {  	s19 =	sld [smem:$0x3FDB];
	_ =	sdelay $0x1  }
0x99: {  	s4 =	simm.s32 $_scs_section_size  }
0x9a: {  	s5 =	simm.s32 $_size__tile_overlayer_lowered;
	s6 =	simm.s32 $_tile_overlayer_lowered  }
0x9b: {  	s22 =	simm.s32 $0x1BFF;
	s21 =	sshll.u32 s6, $0x1;
	s3 =	sadd.s32 s4, s19  }
0x9c: {  	s7 =	simm.s32 $0x0;
	s20 =	sshll.u32 s5, $0x1;
	s5 =	sadd.s32 s21, s3  }
0x9d: {  	[timem:s7], [sflag:s22] =	dma.local [hbm:s5], s20  }
0x9e: {  	_ =	swait.ge [sflag:s22], s20  }
0x9f: {  	s4 =	ssub.s32 $0x0, s20;
	[sflag:s22] =	ssyncset.done $0x0  }
0xa0: {  	[sflag:s22] =	ssyncadd.s32 s4;
	_ =	sdelay $0x1  }
0xa1: {  	s23 =	simm.s32 $0x1B8B  }
0xa2: {  	_ =	swait.ge [sflag:s23], $0x1  }
0xa3: {  	[sflag:s23] =	ssyncset.done $0x0  }
0xa4: {  	s25 =	simm.s32 $0x1B8E;
	s24 =	sld [smem:$0x3FFE];
	[sflag:s23] =	ssyncadd.s32 $0xFFFFFFFF  }
0xa5: {  	s26 =	simm.s32 $execute0_lowered;
	[smem:$0x3FD2] =	sst s25  }
0xa6: {  	s5 =	sshll.u32 s26, $0x1;
	_ =	strace $0x80000046;
	[dreg:$0x1] =	wrdreg $0xFFFFFFFF  }
0xa7: {  	s28 =	simm.s32 $_size_execute0_lowered;
	s3 =	sadd.s32 s3, s5;
	[dreg:$0x0] =	wrdreg $0x0  }
0xa8: {  	s5 =	sshll.u32 s28, $0x1;
	[dreg:$0x2] =	wrdreg s3  }
0xa9: {  	[dreg:$0x3] =	wrdreg s5  }
0xaa: {  	[dreg:$0x4] =	wrdreg $0xC0  }
0xab: {  	_ =	task [dreg:s7], $0x5FFFF  }
0xac: {  	[dreg:$0x1] =	wrdreg $0xFFFFFFFF  }
0xad: {  	[dreg:$0x0] =	wrdreg $0x60  }
0xae: {  	[dreg:$0x2] =	wrdreg s24  }
0xaf: {  	[dreg:$0x3] =	wrdreg s2  }
0xb0: {  	[dreg:$0x4] =	wrdreg $0x9  }
0xb1: {  	_ =	task.clear_ibuf [dreg:s7], $0x5FFFF;
	_ =	strace $0x90000046  }
0xb2: {  	s29 =	simm.s32 $0x9;
	_ =	strace $0x80000048  }
0xb3: {  	_ =	swait.ge [sflag:s29], $0x1  }
0xb4: {  	[sflag:s29] =	ssyncadd.s32 $0xFFFFFFFF  }
0xb5: {  	_ =	strace $0x90000048  }
0xb6: {  	_ =	sfence  }
0xb7: {  	s30 =	sld [smem:$0x0];
	_ =	sdelay $0x2  }
0xb8: {  	s31 =	sshll.u32 s1, $0xD;
	s1 =	sshrl.u32 s1, $0x2  }
0xb9: {  	s3 =	sand.u32 $0x4000, s31;
	s1 =	sadd.s32 s1, s30  }
0xba: {  	s0 =	sor.u32 s3, s0;
	s1 =	sshll.u32 s1, $0x11  }
0xbb: {  	s0 =	sor.u32 s1, s0  }
0xbc: {  	s0 =	sadd.s32 $0x8F2B, s0  }
0xbd: {  	[sflag:s0] =	ssyncadd.remote.s32 $0x1  }
0xbe: {  	_ =	sfence.sel $0xFFFF  }
0xbf: {  	[dreg:$0x0] =	wrdreg $0xFFFFFFFF;
	(pc) =	sbr.abs _section_cstart, $3  }
0xc0: {  	[dreg:$0x1] =	wrdreg $0xFFFFFFFF  }
0xc1: {  	_ =	task.clear_ibuf [dreg:s7], $0x2FFFF;
	_ =	strace $0x9FFFFFFF  }
0xc2: {  	(tm) =	ssettm $0x7FFFFFFF  }
0xc3: {  	_ =	shalt  }
tec
execute0_lowered:
.L_overlay_start_1:
0x0: {  	(tag) =	ssettag $0x1  }
0x1: {  	s0 =	srdreg.scid;
	s1 =	rddreg [dreg:$0x0]  }
0x2: {  	s8 =	stileid.u32;
	s2 =	rddreg [dreg:$0x1]  }
0x3: {  	s28 =	simm.s32 $0x3;
	s0 =	sand.u32 $0x1, s0;
	s3 =	sshll.u32 s8, $0x1  }
0x4: {  	s29 =	simm.s32 $0x6;
	s16 =	smul.u32 $0x320000, s8;
	s5 =	sor.u32 s0, s3  }
0x5: {  	s3 =	simm.s32 $0x0;
	s7 =	ssub.s32 $0x2, s0;
	s0 =	smul.u32 $0x190000, s0  }
0x6: {  	s31 =	simm.s32 $0x4;
	s4 =	smul.u32 $0xC80, s5;
	[smem:$0x7FF] =	sst s3  }
0x7: {  	s15 =	sshrl.u32 s7, $0x1;
	s5 =	smul.u32 $0x190000, s5;
	_ =	strace $0x80000047  }
0x8: {  	s6 =	sadd.s32 s4, s1;
	s4 =	sadd.s32 $0xF42E00, s1;
	s1 =	ssub.s32 s7, s15  }
0x9: {  	s17 =	sor.u32 $0x4000, s5;
	s18 =	sshrl.u32 s5, $0x3;
	s5 =	sor.u32 $0x8000, s5  }
0xa: {  	s15 =	simm.s32 $0x9;
	s6 =	sadd.s32 $0xA00, s6;
	s1 =	smax.u32 s1, $0x1  }
0xb: {  	s7 =	sadd.s32 s2, s18;
	s19 =	sshrl.u32 s17, $0x3;
	[dreg:$0x3] =	wrdreg s6  }
0xc: {  	s5 =	sshrl.u32 s5, $0x3;
	s17 =	simm.s32 $0x6400;
	[dreg:$0x4] =	wrdreg s1  }
0xd: {  	s18 =	simm.s32 $0xA400;
	s20 =	sadd.s32 s2, s19;
	[dreg:$0x5] =	wrdreg s7  }
0xe: {  	s6 =	sadd.s32 s0, s16;
	s21 =	sadd.s32 s2, s5;
	[dreg:$0x6] =	wrdreg s20  }
0xf: {  	s23 =	sadd.s32 $0x1800, s7;
	s16 =	simm.s32 $0x100;
	[dreg:$0x7] =	wrdreg s21  }
0x10: {  	s19 =	simm.s32 $0x8;
	s22 =	sadd.s32 $0x18000, s6;
	[dreg:$0x8] =	wrdreg s23  }
0x11: {  	s24 =	sadd.s32 $0x14000, s6;
	s26 =	sadd.s32 $0x1C000, s6;
	s30 =	sadd.s32 $0x10000, s6  }
.Ltmp0:
0x12: {  	s20 =	simm.s32 $0xE400;
	s21 =	simm.s32 $0x1;
	(pc) =	sbr.rel .LBB2_1-.Ltmp0, $4  }
0x13: {  	s23 =	simm.s32 $0x12400;
	s0 =	sshrl.u32 s22, $0x3;
	s25 =	sshrl.u32 s24, $0x3  }
0x14: {  	s1 =	sshrl.u32 s26, $0x3;
	s24 =	simm.s32 $0x2;
	s22 =	simm.s32 $0x0  }
0x15: {  	s0 =	sadd.s32 s0, s2;
	s26 =	sadd.s32 s1, s2;
	s1 =	simm.s32 $0x7  }
0x16: {  	[dreg:$0x9] =	wrdreg s0;
	s0 =	sadd.s32 s25, s2;
	s25 =	simm.s32 $0x5  }
.LBB2_4:
0x17: {  	_ =	swait.ge [sflag:s19], $0x4000  }
0x18: {  	s22 =	sadd.s32 $0x1, s22;
	s5 =	rddreg [dreg:$0x4]  }
0x19: {  	p0 =	sne.s32 s22, s5  }
.Ltmp1:
0x1a: {  	_ = 	snop;
	(pc) =	sbr.rel @!p0 .LBB2_5-.Ltmp1, $3  }
0x1b: {  	_ =	sdelay $0x1  }
0x1c: {  	[sflag:s19] =	ssyncset.done $0x0  }
0x1d: {  	[sflag:s19] =	ssyncadd.s32 $0xFFFFC000  }
.LBB2_1:
0x1e: {  	s5 =	rddreg [dreg:$0x3]  }
0x1f: {  	[tilespmem:s3], [sflag:$0x9] =	stream.linear.gather [hbm4b:s5+s3], $0x6400, $0x38;
	[tilespmem:$0x16400] =	vst v63  }
0x20: {  	_ =	swait.ge [sflag:s15], $0x6400  }
0x21: {  	[sflag:s15] =	ssyncset.done $0x0  }
0x22: {  	[sflag:s15] =	ssyncadd.s32 $0xFFFF9C00  }
0x23: {  	[tilespmem:s17], [sflag:$0x1] =	stream.indirect.gather [hbm4b:s4+s16], $0x40, s3, s16, $0xb8;
	[tilespmem:$0x16400] =	vst v63  }
0x24: {  	_ = 	snop  }
0x25: {  	[tilespmem:s18], [sflag:$0x2] =	stream.indirect.gather [hbm4b:s4+s16], $0x40, s16, s16, $0xb8;
	[tilespmem:$0x16400] =	vst v63  }
0x26: {  	s6 =	simm.s32 $0x200  }
0x27: {  	[tilespmem:s20], [sflag:$0x3] =	stream.indirect.gather [hbm4b:s4+s16], $0x40, s6, s16, $0xb8;
	[tilespmem:$0x16400] =	vst v63  }
0x28: {  	_ =	swait.ge [sflag:s21], $0x4000  }
0x29: {  	[sflag:s21] =	ssyncset.done $0x0  }
0x2a: {  	s7 =	rddreg [dreg:$0x5];
	[sflag:s21] =	ssyncadd.s32 $0xFFFFC000  }
0x2b: {  	[hbm4b:s7+s3] =	stream.linear.scatter [tilespmem:s17], [sflag:$0x5], $0x4000, $0x38;
	[tilespmem:$0x16400] =	vst v63  }
0x2c: {  	s8 =	simm.s32 $0x300  }
0x2d: {  	[tilespmem:s23], [sflag:$0x4] =	stream.indirect.gather [hbm4b:s4+s16], $0x40, s8, s16, $0xb8;
	[tilespmem:$0x16400] =	vst v63  }
0x2e: {  	_ =	swait.ge [sflag:s24], $0x4000  }
0x2f: {  	[sflag:s24] =	ssyncset.done $0x0  }
0x30: {  	s9 =	rddreg [dreg:$0x6];
	[sflag:s24] =	ssyncadd.s32 $0xFFFFC000  }
0x31: {  	[hbm4b:s9+s3] =	stream.linear.scatter [tilespmem:s18], [sflag:$0x6], $0x4000, $0x38;
	[tilespmem:$0x16400] =	vst v63  }
0x32: {  	_ =	swait.ge [sflag:s25], $0x4000  }
0x33: {  	[sflag:s25] =	ssyncset.done $0x0  }
0x34: {  	s10 =	simm.s32 $0x400;
	[sflag:s25] =	ssyncadd.s32 $0xFFFFC000  }
0x35: {  	[tilespmem:s17], [sflag:$0x1] =	stream.indirect.gather [hbm4b:s4+s16], $0x40, s10, s16, $0xb8;
	[tilespmem:$0x16400] =	vst v63  }
0x36: {  	_ =	swait.ge [sflag:s28], $0x4000  }
0x37: {  	[sflag:s28] =	ssyncset.done $0x0  }
0x38: {  	s11 =	rddreg [dreg:$0x7];
	[sflag:s28] =	ssyncadd.s32 $0xFFFFC000  }
0x39: {  	[hbm4b:s11+s3] =	stream.linear.scatter [tilespmem:s20], [sflag:$0x7], $0x4000, $0x38;
	[tilespmem:$0x16400] =	vst v63  }
0x3a: {  	_ =	swait.ge [sflag:s29], $0x4000  }
0x3b: {  	[sflag:s29] =	ssyncset.done $0x0  }
0x3c: {  	s12 =	simm.s32 $0x500;
	[sflag:s29] =	ssyncadd.s32 $0xFFFFC000  }
0x3d: {  	[tilespmem:s18], [sflag:$0x2] =	stream.indirect.gather [hbm4b:s4+s16], $0x40, s12, s16, $0xb8;
	[tilespmem:$0x16400] =	vst v63  }
0x3e: {  	_ =	swait.ge [sflag:s31], $0x4000  }
0x3f: {  	[sflag:s31] =	ssyncset.done $0x0  }
0x40: {  	s13 =	rddreg [dreg:$0x8];
	[sflag:s31] =	ssyncadd.s32 $0xFFFFC000  }
0x41: {  	[hbm4b:s13+s3] =	stream.linear.scatter [tilespmem:s23], [sflag:$0x8], $0x4000, $0x38;
	[tilespmem:$0x16400] =	vst v63  }
0x42: {  	_ =	swait.ge [sflag:s1], $0x4000  }
0x43: {  	s14 =	simm.s32 $0x600;
	[sflag:s1] =	ssyncset.done $0x0  }
0x44: {  	s6 =	simm.s32 $0x0;
	s12 =	smov.u32 s0;
	[sflag:s1] =	ssyncadd.s32 $0xFFFFC000  }
0x45: {  	[tilespmem:s20], [sflag:$0x3] =	stream.indirect.gather [hbm4b:s4+s16], $0x40, s14, s16, $0xb8;
	[tilespmem:$0x16400] =	vst v63  }
0x46: {  	s13 =	smov.u32 s30;
	s11 =	rddreg [dreg:$0x9];
	s14 =	smov.u32 s26  }
.LBB2_2:
0x47: {  	_ =	swait.ge [sflag:s21], $0x4000  }
0x48: {  	s8 =	sshrl.u32 s13, $0x3;
	[sflag:s21] =	ssyncset.done $0x0  }
0x49: {  	s8 =	sadd.s32 s2, s8;
	[sflag:s21] =	ssyncadd.s32 $0xFFFFC000  }
0x4a: {  	[hbm4b:s8+s3] =	stream.linear.scatter [tilespmem:s17], [sflag:$0x5], $0x4000, $0x38;
	[tilespmem:$0x16400] =	vst v63  }
0x4b: {  	_ =	swait.ge [sflag:s19], $0x4000  }
0x4c: {  	s8 =	sshra.s32 s6, $0x2;
	[sflag:s19] =	ssyncset.done $0x0  }
0x4d: {  	s7 =	sadd.s32 $0x700, s8;
	[sflag:s19] =	ssyncadd.s32 $0xFFFFC000  }
0x4e: {  	[tilespmem:s23], [sflag:$0x4] =	stream.indirect.gather [hbm4b:s4+s16], $0x40, s7, s16, $0xb8;
	[tilespmem:$0x16400] =	vst v63  }
0x4f: {  	_ =	swait.ge [sflag:s24], $0x4000  }
0x50: {  	[sflag:s24] =	ssyncset.done $0x0  }
0x51: {  	[sflag:s24] =	ssyncadd.s32 $0xFFFFC000  }
0x52: {  	[hbm4b:s12+s3] =	stream.linear.scatter [tilespmem:s18], [sflag:$0x6], $0x4000, $0x38;
	[tilespmem:$0x16400] =	vst v63  }
0x53: {  	p0 =	seq.s32 s6, $0x17000;
	_ =	swait.ge [sflag:s25], $0x4000  }
0x54: {  	s10 =	simm.s32 @!p0 $0x100;
	s7 =	sshra.s32 @!p0 s6, $0x2;
	[sflag:s25] =	ssyncset.done $0x0  }
0x55: {  	s5 =	simm.s32 @!p0 $0x6400;
	s9 =	sadd.s32 @!p0 $0x800, s7;
	[sflag:s25] =	ssyncadd.s32 $0xFFFFC000  }
0x56: {  	[tilespmem:s5], [sflag:$0x1] =	stream.indirect.gather @!p0 [hbm4b:s4+s10], $0x40, s9, s10, $0xb8;
	[tilespmem:$0x16400] =	vst v63  }
0x57: {  	_ =	swait.ge [sflag:s28], $0x4000  }
0x58: {  	[sflag:s28] =	ssyncset.done $0x0  }
0x59: {  	[sflag:s28] =	ssyncadd.s32 $0xFFFFC000  }
0x5a: {  	[hbm4b:s11+s3] =	stream.linear.scatter [tilespmem:s20], [sflag:$0x7], $0x4000, $0x38;
	[tilespmem:$0x16400] =	vst v63  }
0x5b: {  	_ =	swait.ge [sflag:s29], $0x4000  }
0x5c: {  	[sflag:s29] =	ssyncset.done $0x0  }
0x5d: {  	s5 =	sadd.s32 @!p0 $0x900, s7;
	s7 =	simm.s32 @!p0 $0xA400;
	[sflag:s29] =	ssyncadd.s32 $0xFFFFC000  }
0x5e: {  	[tilespmem:s7], [sflag:$0x2] =	stream.indirect.gather @!p0 [hbm4b:s4+s10], $0x40, s5, s10, $0xb8;
	[tilespmem:$0x16400] =	vst v63  }
0x5f: {  	_ =	swait.ge [sflag:s31], $0x4000  }
0x60: {  	[sflag:s31] =	ssyncset.done $0x0  }
.Ltmp2:
0x61: {  	[sflag:s31] =	ssyncadd.s32 $0xFFFFC000;
	(pc) =	sbr.rel @p0 .LBB2_4-.Ltmp2, $4  }
0x62: {  	[hbm4b:s14+s3] =	stream.linear.scatter [tilespmem:s23], [sflag:$0x8], $0x4000, $0x38;
	[tilespmem:$0x16400] =	vst v63  }
0x63: {  	_ =	swait.ge [sflag:s1], $0x4000  }
0x64: {  	[sflag:s1] =	ssyncset.done $0x0  }
0x65: {  	[sflag:s1] =	ssyncadd.s32 $0xFFFFC000  }
.Ltmp3:
0x66: {  	(pc) =	sbr.rel .LBB2_2-.Ltmp3, $4  }
0x67: {  	_ = 	snop  }
0x68: {  	s5 =	sadd.s32 $0xA00, s8;
	s6 =	sadd.s32 $0x1000, s6;
	s11 =	sadd.s32 $0x2000, s11  }
0x69: {  	s12 =	sadd.s32 $0x2000, s12;
	s13 =	sadd.s32 $0x10000, s13;
	s14 =	sadd.s32 $0x2000, s14  }
0x6a: {  	[tilespmem:s20], [sflag:$0x3] =	stream.indirect.gather [hbm4b:s4+s16], $0x40, s5, s16, $0xb8;
	[tilespmem:$0x16400] =	vst v63  }
.LBB2_5:
0x6b: {  	_ =	sfence.sel $0x180000  }
0x6c: {  	[bflag:$0x0] =	sbarrier.arrive $0xFFFF  }
0x6d: {  	_ =	strace $0x90000047  }
0x6e: {  	s0 =	stileid.u32;
	[bflag:$0x2] =	sbarrier.arrive $0xFFFF  }
0x6f: {  	p0 =	sne.s32 s0, $0x0;
	s0 =	rddreg [dreg:$0x2]  }
0x70: {  	s0 =	sadd.s32 @!p0 $0x100000, s0  }
0x71: {  	[sflag:s0] =	ssyncadd.tile.s32 @!p0 $0x1;
	_ =	shalt  }
.Lfunc_end2:
_tile_overlayer_lowered:
.L_overlay_start_2:
0x72: {  	(tag) =	ssettag $0x2  }
0x73: {  	s0 =	rddreg [dreg:$0x0];
	s2 =	stileid.u32  }
0x74: {  	s1 =	rddreg [dreg:$0x1];
	p0 =	sne.s32 s2, $0x0  }
0x75: {  	s3 =	rddreg [dreg:$0x2];
	[bflag:$0x3] =	sbarrier.arrive $0xFFFF;
	s2 =	simm.s32 @!p0 $0x1C09  }
0x76: {  	[timem:s3], [sflag:s2] =	dma.local @!p0 [hbm:s0], s1  }
0x77: {  	s0 =	simm.s32 @!p0 $0x9  }
0x78: {  	_ =	swait.ge @!p0 [sflag:s0], s1  }
0x79: {  	s1 =	ssub.s32 @!p0 $0x0, s1;
	[sflag:s0] =	ssyncset.done @!p0 $0x0  }
0x7a: {  	[sflag:s0] =	ssyncadd.s32 @!p0 s1  }
0x7b: {  	[bflag:$0x3] =	sbarrier.arrive $0xFFFF  }
0x7c: {  	_ =	shalt  }

// kernel: sparse-core-data-format-call.cloned.1.call-start
scs
called_computation_lowered:
.L_overlay_start_0:
0x0: {  	s2 =	sld [smem:$0x3FD9]  }
0x1: {  	s3 =	sld [smem:$0x3FFE];
	_ =	sdelay $0x1  }
0x2: {  	s1 =	srdreg.scid  }
0x3: {  	s0 =	sand.u32 $0x1, s1  }
0x4: {  	s18 =	sshll.u32 s0, $0xA;
	s2 =	sadd.s32 s3, s2  }
0x5: {  	s2 =	sadd.s32 s2, s18  }
0x6: {  	[smem:$0x3FC6] =	sst s2  }
0x7: {  	_ = 	snop  }
0x8: {  	s2 =	sld [smem:$0x3FD0];
	(tm) =	ssettm $0x1  }
0x9: {  	s19 =	sld [smem:$0x3FFB];
	_ =	sdelay $0x3  }
0xa: {  	_ =	strace s19  }
0xb: {  	s3 =	sld [smem:$0x3FFC];
	_ =	sdelay $0x3  }
0xc: {  	_ =	strace s3  }
0xd: {  	s3 =	sld [smem:$0x3FFD];
	_ =	sdelay $0x3  }
0xe: {  	_ =	strace s3  }
0xf: {  	_ =	strace $0x8FFFFFFF  }
0x10: {  	s20 =	sld [smem:$0x3FDB];
	_ =	sdelay $0x1  }
0x11: {  	s4 =	simm.s32 $_scs_section_size  }
0x12: {  	s5 =	simm.s32 $_size__tile_overlayer_lowered;
	s6 =	simm.s32 $_tile_overlayer_lowered  }
0x13: {  	s23 =	simm.s32 $0x1BFF;
	s22 =	sshll.u32 s6, $0x1;
	s3 =	sadd.s32 s4, s20  }
0x14: {  	s7 =	simm.s32 $0x0;
	s21 =	sshll.u32 s5, $0x1;
	s5 =	sadd.s32 s22, s3  }
0x15: {  	[timem:s7], [sflag:s23] =	dma.local [hbm:s5], s21  }
0x16: {  	_ =	swait.ge [sflag:s23], s21  }
0x17: {  	s4 =	ssub.s32 $0x0, s21;
	[sflag:s23] =	ssyncset.done $0x0  }
0x18: {  	[sflag:s23] =	ssyncadd.s32 s4;
	_ =	sdelay $0x1  }
0x19: {  	s24 =	simm.s32 $0x1B8B  }
0x1a: {  	_ =	swait.ge [sflag:s24], $0x1  }
0x1b: {  	[sflag:s24] =	ssyncset.done $0x0  }
0x1c: {  	s26 =	simm.s32 $0x1B8E;
	s25 =	sld [smem:$0x3FFE];
	[sflag:s24] =	ssyncadd.s32 $0xFFFFFFFF  }
0x1d: {  	s27 =	simm.s32 $execute0_lowered;
	[smem:$0x3FD2] =	sst s26  }
0x1e: {  	s5 =	sshll.u32 s27, $0x1;
	_ =	strace $0x80000049;
	[dreg:$0x1] =	wrdreg $0xFFFFFFFF  }
0x1f: {  	s28 =	simm.s32 $_size_execute0_lowered;
	s3 =	sadd.s32 s3, s5;
	[dreg:$0x0] =	wrdreg $0x0  }
0x20: {  	s5 =	sshll.u32 s28, $0x1;
	[dreg:$0x2] =	wrdreg s3  }
0x21: {  	[dreg:$0x3] =	wrdreg s5  }
0x22: {  	[dreg:$0x4] =	wrdreg $0xC0  }
0x23: {  	_ =	task [dreg:s7], $0x5FFFF  }
0x24: {  	[dreg:$0x1] =	wrdreg $0xFFFFFFFF  }
0x25: {  	[dreg:$0x0] =	wrdreg $0x60  }
0x26: {  	[dreg:$0x2] =	wrdreg s25  }
0x27: {  	[dreg:$0x3] =	wrdreg s2  }
0x28: {  	[dreg:$0x4] =	wrdreg $0x9  }
0x29: {  	_ =	task.clear_ibuf [dreg:s7], $0x5FFFF;
	_ =	strace $0x90000049  }
0x2a: {  	s29 =	simm.s32 $0x9;
	_ =	strace $0x8000004B  }
0x2b: {  	_ =	swait.ge [sflag:s29], $0x1  }
0x2c: {  	[sflag:s29] =	ssyncadd.s32 $0xFFFFFFFF  }
0x2d: {  	_ =	strace $0x9000004B  }
0x2e: {  	_ =	sfence  }
0x2f: {  	s30 =	sld [smem:$0x0];
	_ =	sdelay $0x2  }
0x30: {  	s31 =	sshll.u32 s1, $0xD;
	s1 =	sshrl.u32 s1, $0x2  }
0x31: {  	s3 =	sand.u32 $0x4000, s31;
	s1 =	sadd.s32 s1, s30  }
0x32: {  	s0 =	sor.u32 s3, s0;
	s1 =	sshll.u32 s1, $0x11  }
0x33: {  	s0 =	sor.u32 s1, s0  }
0x34: {  	s0 =	sadd.s32 $0x8F2B, s0  }
0x35: {  	[sflag:s0] =	ssyncadd.remote.s32 $0x1  }
0x36: {  	_ =	sfence.sel $0xFFFF  }
0x37: {  	[dreg:$0x0] =	wrdreg $0xFFFFFFFF;
	(pc) =	sbr.abs _section_cstart, $3  }
0x38: {  	[dreg:$0x1] =	wrdreg $0xFFFFFFFF  }
0x39: {  	_ =	task.clear_ibuf [dreg:s7], $0x2FFFF;
	_ =	strace $0x9FFFFFFF  }
0x3a: {  	(tm) =	ssettm $0x7FFFFFFF  }
0x3b: {  	_ =	shalt  }
tec
execute0_lowered:
.L_overlay_start_1:
0x0: {  	(tag) =	ssettag $0x1  }
0x1: {  	s0 =	srdreg.scid  }
0x2: {  	s1 =	sshll.u32 s0, $0x4  }
0x3: {  	s0 =	stileid.u32;
	s1 =	sand.u32 $0x10, s1  }
0x4: {  	s1 =	sor.u32 s0, s1  }
0x5: {  	s6 =	rddreg [dreg:$0x0];
	s4 =	simm.s32 $0x1;
	s2 =	sshll.u32 s1, $0x7  }
0x6: {  	s7 =	simm.s32 $0x2;
	s12 =	simm.s32 $0x0;
	s1 =	ssub.s32 $0x1000, s2  }
0x7: {  	s8 =	simm.s32 $0x8000;
	s13 =	simm.s32 $0x0;
	s3 =	sand.u32 $0xF80, s1  }
0x8: {  	s9 =	simm.s32 $0x0;
	s5 =	sshrl.u32 s1, $0xC;
	p0 =	sne.s32 s3, $0x0  }
.Ltmp0:
0x9: {  	s1 =	rddreg [dreg:$0x2];
	s4 =	simm.s32 @!p0 $0x0;
	(pc) =	sbr.rel .LBB1_1-.Ltmp0, $4  }
0xa: {  	s11 =	simm.s32 $0x0;
	s3 =	rddreg [dreg:$0x1];
	s5 =	sadd.s32 s4, s5  }
0xb: {  	_ =	strace $0x8000004A;
	s4 =	simm.s32 $0x1;
	s5 =	smul.u32 $0xC8, s5  }
0xc: {  	s6 =	sadd.s32 $0xA00, s6;
	s10 =	smov.u32 s2;
	[sflag:s4] =	ssyncpa.u1 $0x0  }
0xd: {  	p0 =	por $0x0, $0x0;
	[sflag:s7] =	ssyncpa.u1 $0x0;
	s7 =	sor.u32 $0x1, s5  }
.LBB1_4:
0xe: {  	s16 =	sshll.u32 s13, $0x3;
	s17 =	sand.u32 $0x78, s13  }
0xf: {  	s30 =	sand.u32 $0x7E00, s13;
	s12 =	sshll.u32 s12, $0xF;
	s16 =	sand.u32 $0xC00, s16  }
0x10: {  	[tilespmem:s15+$0x810 ss:$0x81] =	vst.msk $0xffff, v2;
	s31 =	sand.u32 $0x7, s13;
	s16 =	sor.u32 s17, s16;
	s17 =	sadd.s32 s3, s30  }
0x11: {  	[tilespmem:s15+$0x1020 ss:$0x81] =	vst.msk $0xffff, v0;
	s13 =	sshll.u32 s31, $0x12;
	s12 =	sadd.s32 s12, s17;
	s16 =	sshrl.u32 s16, $0x3  }
0x12: {  	[tilespmem:s15+$0x0 ss:$0x81] =	vst.msk $0xffff, v1;
	s13 =	sor.u32 $0x400, s13;
	s12 =	sadd.s32 s16, s12  }
0x13: {  	[hbm4b:s12+s13] =	stream.strided.scatter [tilespmem:s14], [sflag:$0x2], $0x2000, s8, s13, $0x20;
	[tilespmem:$0x8080] =	vst v63  }
.LBB1_5:
0x14: {  	s14 =	sadd.s32 $0x1, s9  }
0x15: {  	s12 =	sadd.s32 $0x1000, s10;
	s16 =	smov.u32 s10;
	p2 =	sgt.s32 s14, $0xC7  }
0x16: {  	s16 =	smov.u32 @p2 s12  }
0x17: {  	s14 =	simm.s32 @p2 $0x0;
	p2 =	sgt.s32 s16, $0xFFF  }
0x18: {  	s16 =	smov.u32 @p2 s2;
	p2 =	sne.s32 s11, s7  }
.Ltmp1:
0x19: {  	p1 =	slt.u32 s11, $0x2;
	(pc) =	sbr.rel @!p2 .LBB1_6-.Ltmp1, $4  }
0x1a: {  	s15 =	simm.s32 @!p1 $0x2  }
0x1b: {  	s13 =	smov.u32 s10;
	p0 =	por !p0, !p0;
	_ =	swait.ge @!p1 [sflag:s15], $0x2000  }
0x1c: {  	s12 =	smov.u32 s9;
	[sflag:s15] =	ssyncset.done @!p1 $0x0;
	s9 =	smov.u32 s14  }
0x1d: {  	s11 =	sadd.s32 $0x1, s11;
	[sflag:s15] =	ssyncadd.s32 @!p1 $0xFFFFE000;
	s10 =	smov.u32 s16  }
.LBB1_1:
0x1e: {  	p1 =	sge.u32 s11, s5  }
0x1f: {  	s14 =	sand.u32 @!p1 $0x1FFFFFF, s9  }
0x20: {  	s15 =	smulhi.u32 @!p1 $0x147AE15, s14;
	_ =	sdelay $0x1  }
0x21: {  	s15 =	smul.u32 @!p1 $0xC8, s15  }
0x22: {  	s16 =	sxor.u32 @!p1 $0xFFFFFFFF, s11;
	s17 =	smul.u32 @!p1 $0xC80, s10  }
0x23: {  	s31 =	sadd.s32 $0xFFFFFFFF, s11;
	s16 =	sshll.u32 @!p1 s16, $0xD;
	s14 =	ssub.s32 @!p1 s14, s15  }
0x24: {  	s15 =	sand.u32 @!p1 $0x2000, s16;
	s16 =	sadd.s32 @!p1 s6, s17;
	s14 =	sshll.u32 @!p1 s14, $0x4  }
0x25: {  	s17 =	simm.s32 @!p1 $0x6400;
	s14 =	sadd.s32 @!p1 s14, s16;
	s16 =	simm.s32 @!p1 $0x40  }
0x26: {  	[tilespmem:s15], [sflag:$0x1] =	stream.strided.gather @!p1 [hbm4b:s14+s16], $0x2000, s17, s16, $0x38;
	[tilespmem:$0x8080] =	vst v63  }
0x27: {  	p1 =	sge.u32 s31, s5  }
.Ltmp2:
0x28: {  	_ = 	snop;
	(pc) =	sbr.rel @p1 .LBB1_5-.Ltmp2, $1  }
0x29: {  	_ =	sdelay $0x3  }
0x2a: {  	s14 =	simm.s32 $0x1  }
0x2b: {  	_ =	swait.ge [sflag:s4], $0x2000;
	s14 =	simm.s32 @!p0 $0x0  }
0x2c: {  	[sflag:s4] =	ssyncset.done $0x0;
	s15 =	sshll.u32 s14, $0xD  }
0x2d: {  	[sflag:s4] =	ssyncadd.s32 $0xFFFFE000;
	s18 =	sor.u32 $0x20, s15  }
0x2e: {  	s14 =	smul.u32 $0x8100, s14;
	v3 =	vld [tilespmem:s18+$0x10]  }
0x2f: {  	s30 =	sand.u32 $0x1, s11;
	v2 =	vld [tilespmem:s18+$0xFFFFFFF0]  }
0x30: {  	s15 =	smul.u32 $0x8100, s30;
	s14 =	sshrl.u32 s14, $0x2;
	v0 =	vld [tilespmem:s18+$0x0]  }
0x31: {  	v1 =	vld [tilespmem:s18+$0xFFFFFFE0];
	s16 =	sor.u32 $0x4000, s14  }
0x32: {  	s31 =	sshrl.u32 s15, $0x2;
	s15 =	sadd.s32 $0x0, s16  }
0x33: {  	s17 =	simm.s32 $0x4;
	s18 =	sadd.s32 $0x40, s18;
	s14 =	sor.u32 $0x4000, s31;
	[tilespmem:s15+$0x1830 ss:$0x81] =	vst.msk $0xffff, v3  }
.LBB1_3:
0x34: {  	v3 =	vld [tilespmem:s18+$0x10];
	p1 =	sne.s32 s17, $0x1FC;
	[tilespmem:s15+$0x810 ss:$0x81] =	vst.msk $0xffff, v2;
	s19 =	smov.u32 s17;
	s17 =	sadd.s32 $0x4, s17  }
.Ltmp3:
0x35: {  	v2 =	vld [tilespmem:s18+$0xFFFFFFF0];
	[tilespmem:s15+$0x1020 ss:$0x81] =	vst.msk $0xffff, v0;
	(pc) =	sbr.rel @p1 .LBB1_3-.Ltmp3, $4  }
0x36: {  	v0 =	vld [tilespmem:s18+$0x0];
	[tilespmem:s15+$0x0 ss:$0x81] =	vst.msk $0xffff, v1  }
0x37: {  	s15 =	sshra.s32 s19, $0x2;
	v1 =	vld [tilespmem:s18+$0xFFFFFFE0]  }
0x38: {  	s15 =	sadd.s32 s15, s16  }
0x39: {  	s18 =	sadd.s32 $0x40, s18;
	[tilespmem:s15+$0x1830 ss:$0x81] =	vst.msk $0xffff, v3  }
.Ltmp4:
0x3a: {  	_ = 	snop;
	(pc) =	sbr.rel .LBB1_4-.Ltmp4, $1  }
0x3b: {  	_ =	sdelay $0x3  }
.LBB1_6:
0x3c: {  	_ =	sfence.sel $0x180000  }
0x3d: {  	s2 =	simm.s32 $0x1;
	[bflag:$0x0] =	sbarrier.arrive $0xFFFF  }
0x3e: {  	s31 =	simm.s32 $0x2;
	[sflag:s2] =	ssyncpa.u1 $0x1  }
0x3f: {  	[sflag:s31] =	ssyncpa.u1 $0x1  }
0x40: {  	p0 =	sne.s32 s0, $0x0;
	_ =	strace $0x9000004A  }
0x41: {  	s0 =	sadd.s32 @!p0 $0x100000, s1;
	[bflag:$0x2] =	sbarrier.arrive $0xFFFF  }
0x42: {  	[sflag:s0] =	ssyncadd.tile.s32 @!p0 $0x1;
	_ =	shalt  }
.Lfunc_end1:
_tile_overlayer_lowered:
.L_overlay_start_2:
0x43: {  	(tag) =	ssettag $0x2  }
0x44: {  	s0 =	rddreg [dreg:$0x0];
	s2 =	stileid.u32  }
0x45: {  	s1 =	rddreg [dreg:$0x1];
	p0 =	sne.s32 s2, $0x0  }
0x46: {  	s3 =	rddreg [dreg:$0x2];
	[bflag:$0x3] =	sbarrier.arrive $0xFFFF;
	s2 =	simm.s32 @!p0 $0x1C01  }
0x47: {  	[timem:s3], [sflag:s2] =	dma.local @!p0 [hbm:s0], s1  }
0x48: {  	s0 =	simm.s32 @!p0 $0x1  }
0x49: {  	_ =	swait.ge @!p0 [sflag:s0], s1  }
0x4a: {  	s1 =	ssub.s32 @!p0 $0x0, s1;
	[sflag:s0] =	ssyncset.done @!p0 $0x0  }
0x4b: {  	[sflag:s0] =	ssyncadd.s32 @!p0 s1  }
0x4c: {  	[bflag:$0x3] =	sbarrier.arrive $0xFFFF  }
0x4d: {  	_ =	shalt  }

</sc_bundles>
